<compile_context>
chip_gen: v7x
topology: tpu7x:2x2x1
jax: 0.10.2.dev20260603
libtpu: 0.0.44.dev20260713+nightly
codegen_flags: <defaults>
</compile_context>

<pallas_src>
import functools

import jax
import jax.numpy as jnp
from jax import lax
from jax.experimental import pallas as pl
from jax.experimental.pallas import tpu as pltpu
from jax.experimental.pallas import tpu_sc as plsc

_N = 50000
_S = 5000
_S_PAD = 5120
_BS = 512
_NB = _S_PAD // _BS
_ES = 16384
_LB = 4096
_NLB = _ES // _LB
_B_PAD = 40960
_T_PRO = 0
_T_LINK0 = 1
_T_PAIR0 = _T_LINK0 + _NLB
_NTRI = _NB * (_NB + 1) // 2
_GRID = _T_PAIR0 + _NTRI
_TRI_OFF = [r * _NB - r * (r - 1) // 2 for r in range(_NB)]
_HIGH = jax.lax.Precision.HIGHEST
_LOG2E = 1.4426950408889634


def _sc_gather_rows(tab, idx):
    n_rows, d = tab.shape
    b = idx.shape[0]
    info = plsc.get_sparse_core_info()
    nc, ns = info.num_cores, info.num_subcores
    nw = nc * ns
    bpw = b // nw
    chunk = 128
    nchunk = bpw // chunk
    mesh = plsc.VectorSubcoreMesh(core_axis_name="c", subcore_axis_name="s")

    @functools.partial(
        pl.kernel,
        mesh=mesh,
        out_type=jax.ShapeDtypeStruct((b, d), jnp.float32),
        compiler_params=pltpu.CompilerParams(use_tc_tiling_on_sc=False),
        scratch_types=[
            pltpu.VMEM((bpw,), jnp.int32),
            pltpu.VMEM((bpw, d), jnp.float32),
            pltpu.SemaphoreType.DMA,
        ],
    )
    def gather_kernel(tab_hbm, idx_hbm, out_hbm, idx_v, rows_v, sem):
        wid = lax.axis_index("s") * nc + lax.axis_index("c")
        base = wid * bpw
        pltpu.sync_copy(idx_hbm.at[pl.ds(base, bpw)], idx_v)
        copies = []
        for j in range(nchunk):
            copies.append(
                pltpu.async_copy(
                    tab_hbm.at[idx_v.at[pl.ds(j * chunk, chunk)]],
                    rows_v.at[pl.ds(j * chunk, chunk)],
                    sem,
                )
            )
        for c in copies:
            c.wait()
        pltpu.sync_copy(rows_v, out_hbm.at[pl.ds(base, bpw)])

    return gather_kernel(tab, idx)


def _softmax_rows(x):
    m = jnp.max(x, axis=1, keepdims=True)
    e = jnp.exp(x - m)
    return e / jnp.sum(e, axis=1, keepdims=True)


def _tc_body(z1_ref, gate_ref, gi_ref, gj_ref, gs_ref, vc_ref, a_ref, out_ref,
             azc_ref,
             pxc_ref, pyc_ref, lbc_ref, pxr_ref, pyr_ref, lbr_ref, sm_ref):
    t = pl.program_id(0)

    @pl.when(t == _T_PRO)
    def _prologue():
        x = z1_ref[...]
        e = jnp.exp(x)
        li = lax.broadcasted_iota(jnp.int32, (128, 128), 0) // 8
        lj = lax.broadcasted_iota(jnp.int32, (128, 128), 1) // 8
        seg = (li == lj).astype(jnp.float32)
        s = lax.dot_general(e, seg, (((1,), (0,)), ((), ())),
                            precision=_HIGH)
        z = e / s
        gg = 1.0 / (1.0 + jnp.exp(-gate_ref[...]))
        zg = z * gg
        mbig = lax.dot_general(z, zg, (((0,), (0,)), ((), ())),
                               precision=_HIGH)
        csb = jnp.sum(zg, axis=0, keepdims=True)
        m = jnp.zeros((8, 8), jnp.float32)
        cs = jnp.zeros((1, 8), jnp.float32)
        for g in range(16):
            m = m + mbig[8 * g:8 * g + 8, 8 * g:8 * g + 8]
            cs = cs + csb[:, 8 * g:8 * g + 8]
        ms = m / cs
        azc = lax.dot_general(a_ref[...], ms, (((1,), (0,)), ((), ())),
                              precision=_HIGH)
        azc_ref[...] = azc

        grows = gs_ref[...][0:_S_PAD]
        z = _softmax_rows(grows[:, 0:8])
        pts = lax.dot_general(z, azc, (((1,), (1,)), ((), ())),
                              precision=_HIGH)
        psc = pts * _LOG2E
        pxc = psc[:, 0:1]
        pyc = psc[:, 1:2]
        pxc_ref[...] = pxc
        pyc_ref[...] = pyc
        ridx = lax.broadcasted_iota(jnp.int32, (_S_PAD, 1), 0)
        valid = ridx < _S
        bcol = grows[:, 8:9]
        lb = jnp.where(valid, bcol * _LOG2E, -1e30)
        lbc_ref[...] = lb
        ebv = jnp.where(valid, jnp.exp(bcol), 0.0)
        pxr_ref[...] = jnp.transpose(pxc, (1, 0))
        pyr_ref[...] = jnp.transpose(pyc, (1, 0))
        lbr_ref[...] = jnp.transpose(lb, (1, 0))
        sm_ref[1] = jnp.sum(ebv * ebv)
        sm_ref[0] = 0.0
        sm_ref[2] = 0.0

    @pl.when((t >= _T_LINK0) & (t < _T_PAIR0))
    def _link():
        gi = gi_ref[...]
        gj = gj_ref[...]
        azc = azc_ref[...]
        a0 = azc[0:1, :]
        a1 = azc[1:2, :]
        zi = _softmax_rows(gi[:, 0:8])
        zj = _softmax_rows(gj[:, 0:8])
        dx = (jnp.sum(zi * a0, axis=1, keepdims=True)
              - jnp.sum(zj * a0, axis=1, keepdims=True) + 1e-6)
        dy = (jnp.sum(zi * a1, axis=1, keepdims=True)
              - jnp.sum(zj * a1, axis=1, keepdims=True) + 1e-6)
        s2 = jnp.maximum(dx * dx + dy * dy, 1e-30)
        dl = s2 * lax.rsqrt(s2)
        sterm = gi[:, 8:9] + gj[:, 8:9] - dl
        sm_ref[2] += jnp.sum(sterm * vc_ref[...])

    @pl.when(t >= _T_PAIR0)
    def _pair_blocks():
        q = t - _T_PAIR0
        bi = jnp.int32(0)
        for r in range(1, _NB):
            bi = bi + (q >= _TRI_OFF[r]).astype(jnp.int32)
        off = jnp.int32(0)
        for r in range(1, _NB):
            off = jnp.where(bi == r, jnp.int32(_TRI_OFF[r]), off)
        bj = bi + (q - off)
        xi = pxc_ref[pl.ds(bi * _BS, _BS), :]
        yi = pyc_ref[pl.ds(bi * _BS, _BS), :]
        lbi = lbc_ref[pl.ds(bi * _BS, _BS), :]
        xj = pxr_ref[:, pl.ds(bj * _BS, _BS)]
        yj = pyr_ref[:, pl.ds(bj * _BS, _BS)]
        lbj = lbr_ref[:, pl.ds(bj * _BS, _BS)]
        dx = xi - xj
        dy = yi - yj
        eps = jnp.float32(1e-12 * _LOG2E * _LOG2E)
        d2 = dx * dx + dy * dy + eps
        d = d2 * lax.rsqrt(d2)
        w = jnp.exp2((lbi + lbj) - d)
        part = jnp.sum(w)
        sm_ref[0] += jnp.where(bj > bi, 2.0, 1.0) * part

    @pl.when(t == _GRID - 1)
    def _epilogue():
        diag = jnp.exp(-jnp.sqrt(jnp.float32(1e-12)))
        z_pdist1 = 0.5 * (sm_ref[0] - diag * sm_ref[1])
        out_ref[...] = jnp.full((1, 1), sm_ref[2] - z_pdist1, jnp.float32)


def _tc_main(z1p, gatep, grows, vc, a):
    def _imap(t):
        return (jnp.clip(t - _T_LINK0, 0, _NLB - 1), 0)

    def _jmap(t):
        return (_NLB + jnp.clip(t - _T_LINK0, 0, _NLB - 1), 0)

    return pl.pallas_call(
        _tc_body,
        grid=(_GRID,),
        in_specs=[
            pl.BlockSpec((3125, 128), lambda t: (0, 0)),
            pl.BlockSpec((3125, 128), lambda t: (0, 0)),
            pl.BlockSpec((_LB, 16), _imap),
            pl.BlockSpec((_LB, 16), _jmap),
            pl.BlockSpec((8192, 16), lambda t: (4, 0)),
            pl.BlockSpec((_LB, 1), _imap),
            pl.BlockSpec((2, 8), lambda t: (0, 0)),
        ],
        out_specs=pl.BlockSpec((1, 1), lambda t: (0, 0)),
        out_shape=jax.ShapeDtypeStruct((1, 1), jnp.float32),
        scratch_shapes=[
            pltpu.VMEM((2, 8), jnp.float32),
            pltpu.VMEM((_S_PAD, 1), jnp.float32),
            pltpu.VMEM((_S_PAD, 1), jnp.float32),
            pltpu.VMEM((_S_PAD, 1), jnp.float32),
            pltpu.VMEM((1, _S_PAD), jnp.float32),
            pltpu.VMEM((1, _S_PAD), jnp.float32),
            pltpu.VMEM((1, _S_PAD), jnp.float32),
            pltpu.SMEM((3,), jnp.float32),
        ],
        compiler_params=pltpu.CompilerParams(
            dimension_semantics=("arbitrary",),
        ),
    )(z1p, gatep, grows, grows, grows, vc, a)


def kernel(latent_z1, beta, A, Gate, valueC, sample_idx,
           sparse_sample_i, sparse_sample_j):
    n = latent_z1.shape[0]
    s = sample_idx.shape[0]
    es = sparse_sample_i.shape[0]
    si = sample_idx.astype(jnp.int32)
    ii = sparse_sample_i.astype(jnp.int32)
    jj = sparse_sample_j.astype(jnp.int32)
    idx = jnp.concatenate([
        ii,
        jj,
        si,
        jnp.zeros((_B_PAD - 2 * es - s,), jnp.int32),
    ])
    tab = jnp.concatenate(
        [latent_z1, beta[:, None], jnp.zeros((n, 7), jnp.float32)], axis=1)
    grows = _sc_gather_rows(tab, idx)
    z1p = latent_z1.reshape(n // 16, 128)
    gatep = Gate.reshape(n // 16, 128)
    out = _tc_main(z1p, gatep, grows, valueC[:, None], A)
    return out[0, 0]

# --- scband reference (transcript-rebuilt; emitter-appended) ---
"""Pipeline reference for scband-drraa-12695923327044 (READ-ONLY COPY).

The authoritative reference and input builder live on the scoring server;
editing this copy changes nothing except your own understanding.
"""

import jax, jax.numpy as jnp
import numpy as np

N = 50000
K = 8
D = 2
S = 5000
ES = 16384


def setup_inputs(seed: int = 0) -> dict:
    key = jax.random.key(seed)
    ks = jax.random.split(key, 8)
    latent_z1 = jax.random.normal(ks[0], (N, K), dtype=jnp.float32)
    beta = jax.random.normal(ks[1], (N,), dtype=jnp.float32)
    A = jax.random.normal(ks[2], (D, K), dtype=jnp.float32)
    Gate = jax.random.normal(ks[3], (N, K), dtype=jnp.float32)
    valueC = jax.random.uniform(ks[4], (ES,), dtype=jnp.float32)
    sample_idx = jax.random.randint(ks[5], (S,), 0, N).astype(jnp.int64)
    sparse_sample_i = jax.random.randint(ks[6], (ES,), 0, N).astype(jnp.int64)
    sparse_sample_j = jax.random.randint(ks[7], (ES,), 0, N).astype(jnp.int64)
    return {
        'latent_z1': latent_z1,
        'beta': beta,
        'A': A,
        'Gate': Gate,
        'valueC': valueC,
        'sample_idx': sample_idx,
        'sparse_sample_i': sparse_sample_i,
        'sparse_sample_j': sparse_sample_j,
    }


def _cdist(x, y):
    # euclidean pairwise distance, p=2 (torch.cdist equivalent)
    d2 = jnp.sum((x[:, None, :] - y[None, :, :]) ** 2, axis=-1)
    return jnp.sqrt(d2 + 1e-12)


def reference(latent_z1, beta, A, Gate, valueC, sample_idx, sparse_sample_i, sparse_sample_j):
    # DRRAA.log_likelihood, scaling=0 branch (the full RAA likelihood)
    latent_z = jax.nn.softmax(latent_z1, axis=1)                      # [N, K]
    G = jax.nn.sigmoid(Gate)                                          # [N, K]
    zg = latent_z * G
    C = zg / jnp.sum(zg, axis=0, keepdims=True)                       # [N, K]
    AZC = A @ (latent_z.T @ C)                                        # [D, K]
    z_sample = jnp.take(latent_z, sample_idx, axis=0)                 # [S, K] gather
    z_i = jnp.take(latent_z, sparse_sample_i, axis=0)                 # [ES, K] gather
    z_j = jnp.take(latent_z, sparse_sample_j, axis=0)                 # [ES, K] gather
    AZC_non_link = (AZC @ z_sample.T).T                               # [S, D]
    AZC_link_i = (AZC @ z_i.T).T                                      # [ES, D]
    AZC_link_j = (AZC @ z_j.T).T                                      # [ES, D]
    mat = jnp.exp(-_cdist(AZC_non_link, AZC_non_link))                # [S, S]
    mat_nd = mat - jnp.diag(jnp.diagonal(mat))
    beta_s = jnp.take(beta, sample_idx, axis=0)                       # [S] gather
    eb = jnp.exp(beta_s)
    z_pdist1 = 0.5 * (eb[None, :] @ (mat_nd @ eb[:, None]))[0, 0]
    beta_i = jnp.take(beta, sparse_sample_i, axis=0)
    beta_j = jnp.take(beta, sparse_sample_j, axis=0)
    dist_link = jnp.sum((AZC_link_i - AZC_link_j + 1e-06) ** 2, axis=-1) ** 0.5
    z_pdist2 = jnp.sum((beta_i + beta_j - dist_link) * valueC)
    log_likelihood_sparse = z_pdist2 - z_pdist1
    return log_likelihood_sparse

if __name__ == "__main__":
    import jax
    _d = setup_inputs()
    print(jax.jit(kernel)(*tuple(_d.values())))

</pallas_src>

<mosaic_0001>
#map = affine_map<(d0, d1) -> (0, 0)>
#map1 = affine_map<(d0, d1) -> (0)>
module attributes {stable_mosaic.version = 14 : i64} {
  func.func @gather_kernel(%arg0: i32, %arg1: i32, %arg2: memref<50000x16xf32, #tpu.memory_space<hbm>>, %arg3: memref<40960xi32, #tpu.memory_space<hbm>>, %arg4: memref<40960x16xf32, #tpu.memory_space<hbm>>, %arg5: memref<1280xi32, #tpu.memory_space<vmem>>, %arg6: memref<1280x16xf32, #tpu.memory_space<vmem>>, %arg7: memref<!tpu.dma_semaphore, #tpu.memory_space<semaphore_mem>>) attributes {dimension_semantics = [#tpu.dimension_semantics<core_parallel>, #tpu.dimension_semantics<subcore_parallel>], iteration_bounds = array<i64: 2, 16>, scalar_prefetch = 0 : i64, scratch_operands = 3 : i64, tpu.core_type = #tpu.core_type<sc_vector_subcore>, window_params = [{transform_indices = #map}, {transform_indices = #map1}, {transform_indices = #map}]} {
    %mul3A = arith.constant 2 : i32
    %mul3A_0 = arith.muli %arg1, %mul3A : i32
    %add3A = arith.addi %mul3A_0, %arg0 : i32
    %mul3A_1 = arith.constant 1280 : i32
    %mul3A_2 = arith.muli %add3A, %mul3A_1 : i32
    "tpu.region"() ({
      %run_scoped3A = tpu.sem_alloc : memref<!tpu.dma_semaphore, #tpu.memory_space<semaphore_mem>>
      %dma_start3A_161 = tpu.memref_slice %arg3[%mul3A_2] : memref<40960xi32, #tpu.memory_space<hbm>> -> memref<1280xi32, #tpu.memory_space<hbm>>
      %dma_start3A_162 = tpu.memref_slice %arg3[%mul3A_2] : memref<40960xi32, #tpu.memory_space<hbm>> -> memref<1280xi32, #tpu.memory_space<hbm>>
      tpu.enqueue_dma source(%dma_start3A_162 : memref<1280xi32, #tpu.memory_space<hbm>>) target(%arg5 : memref<1280xi32, #tpu.memory_space<vmem>>) target_semaphore(%run_scoped3A : memref<!tpu.dma_semaphore, #tpu.memory_space<semaphore_mem>>)
      %dma_wait3A_163 = tpu.memref_slice %arg3[%mul3A_2] : memref<40960xi32, #tpu.memory_space<hbm>> -> memref<1280xi32, #tpu.memory_space<hbm>>
      %dma_wait3A_164 = tpu.memref_slice %arg3[%mul3A_2] : memref<40960xi32, #tpu.memory_space<hbm>> -> memref<1280xi32, #tpu.memory_space<hbm>>
      tpu.wait_dma2 semaphore(%run_scoped3A : memref<!tpu.dma_semaphore, #tpu.memory_space<semaphore_mem>>) src(%dma_wait3A_164 : memref<1280xi32, #tpu.memory_space<hbm>>) dst(%arg5 : memref<1280xi32, #tpu.memory_space<vmem>>)
      tpu.yield
    }) : () -> ()
    %dma_start3A = arith.constant 0 : i32
    %dma_start3A_3 = arith.constant 0 : i32
    %dma_start3A_4 = tpu.memref_slice %arg6[%dma_start3A, %dma_start3A_3] : memref<1280x16xf32, #tpu.memory_space<vmem>> -> memref<128x16xf32, #tpu.memory_space<vmem>>
    %dma_start3A_5 = arith.constant 0 : i32
    %dma_start3A_6 = tpu.memref_slice %arg5[%dma_start3A_5] : memref<1280xi32, #tpu.memory_space<vmem>> -> memref<128xi32, #tpu.memory_space<vmem>>
    %dma_start3A_7 = arith.constant 0 : i32
    %dma_start3A_8 = arith.constant 0 : i32
    %dma_start3A_9 = tpu.memref_slice %arg2[%dma_start3A_7, %dma_start3A_8] : memref<50000x16xf32, #tpu.memory_space<hbm>> -> memref<50000x16xf32, #tpu.memory_space<hbm>>
    tpu.enqueue_indirect_dma source(%dma_start3A_9 : memref<50000x16xf32, #tpu.memory_space<hbm>>) target(%dma_start3A_4 : memref<128x16xf32, #tpu.memory_space<vmem>>) offsets(%dma_start3A_6 : memref<128xi32, #tpu.memory_space<vmem>>) semaphore(%arg7 : memref<!tpu.dma_semaphore, #tpu.memory_space<semaphore_mem>>)
    %dma_start3A_10 = arith.constant 128 : i32
    %dma_start3A_11 = arith.constant 0 : i32
    %dma_start3A_12 = tpu.memref_slice %arg6[%dma_start3A_10, %dma_start3A_11] : memref<1280x16xf32, #tpu.memory_space<vmem>> -> memref<128x16xf32, #tpu.memory_space<vmem>>
    %dma_start3A_13 = arith.constant 128 : i32
    %dma_start3A_14 = tpu.memref_slice %arg5[%dma_start3A_13] : memref<1280xi32, #tpu.memory_space<vmem>> -> memref<128xi32, #tpu.memory_space<vmem>>
    %dma_start3A_15 = arith.constant 0 : i32
    %dma_start3A_16 = arith.constant 0 : i32
    %dma_start3A_17 = tpu.memref_slice %arg2[%dma_start3A_15, %dma_start3A_16] : memref<50000x16xf32, #tpu.memory_space<hbm>> -> memref<50000x16xf32, #tpu.memory_space<hbm>>
    tpu.enqueue_indirect_dma source(%dma_start3A_17 : memref<50000x16xf32, #tpu.memory_space<hbm>>) target(%dma_start3A_12 : memref<128x16xf32, #tpu.memory_space<vmem>>) offsets(%dma_start3A_14 : memref<128xi32, #tpu.memory_space<vmem>>) semaphore(%arg7 : memref<!tpu.dma_semaphore, #tpu.memory_space<semaphore_mem>>)
    %dma_start3A_18 = arith.constant 256 : i32
    %dma_start3A_19 = arith.constant 0 : i32
    %dma_start3A_20 = tpu.memref_slice %arg6[%dma_start3A_18, %dma_start3A_19] : memref<1280x16xf32, #tpu.memory_space<vmem>> -> memref<128x16xf32, #tpu.memory_space<vmem>>
    %dma_start3A_21 = arith.constant 256 : i32
    %dma_start3A_22 = tpu.memref_slice %arg5[%dma_start3A_21] : memref<1280xi32, #tpu.memory_space<vmem>> -> memref<128xi32, #tpu.memory_space<vmem>>
    %dma_start3A_23 = arith.constant 0 : i32
    %dma_start3A_24 = arith.constant 0 : i32
    %dma_start3A_25 = tpu.memref_slice %arg2[%dma_start3A_23, %dma_start3A_24] : memref<50000x16xf32, #tpu.memory_space<hbm>> -> memref<50000x16xf32, #tpu.memory_space<hbm>>
    tpu.enqueue_indirect_dma source(%dma_start3A_25 : memref<50000x16xf32, #tpu.memory_space<hbm>>) target(%dma_start3A_20 : memref<128x16xf32, #tpu.memory_space<vmem>>) offsets(%dma_start3A_22 : memref<128xi32, #tpu.memory_space<vmem>>) semaphore(%arg7 : memref<!tpu.dma_semaphore, #tpu.memory_space<semaphore_mem>>)
    %dma_start3A_26 = arith.constant 384 : i32
    %dma_start3A_27 = arith.constant 0 : i32
    %dma_start3A_28 = tpu.memref_slice %arg6[%dma_start3A_26, %dma_start3A_27] : memref<1280x16xf32, #tpu.memory_space<vmem>> -> memref<128x16xf32, #tpu.memory_space<vmem>>
    %dma_start3A_29 = arith.constant 384 : i32
    %dma_start3A_30 = tpu.memref_slice %arg5[%dma_start3A_29] : memref<1280xi32, #tpu.memory_space<vmem>> -> memref<128xi32, #tpu.memory_space<vmem>>
    %dma_start3A_31 = arith.constant 0 : i32
    %dma_start3A_32 = arith.constant 0 : i32
    %dma_start3A_33 = tpu.memref_slice %arg2[%dma_start3A_31, %dma_start3A_32] : memref<50000x16xf32, #tpu.memory_space<hbm>> -> memref<50000x16xf32, #tpu.memory_space<hbm>>
    tpu.enqueue_indirect_dma source(%dma_start3A_33 : memref<50000x16xf32, #tpu.memory_space<hbm>>) target(%dma_start3A_28 : memref<128x16xf32, #tpu.memory_space<vmem>>) offsets(%dma_start3A_30 : memref<128xi32, #tpu.memory_space<vmem>>) semaphore(%arg7 : memref<!tpu.dma_semaphore, #tpu.memory_space<semaphore_mem>>)
    %dma_start3A_34 = arith.constant 512 : i32
    %dma_start3A_35 = arith.constant 0 : i32
    %dma_start3A_36 = tpu.memref_slice %arg6[%dma_start3A_34, %dma_start3A_35] : memref<1280x16xf32, #tpu.memory_space<vmem>> -> memref<128x16xf32, #tpu.memory_space<vmem>>
    %dma_start3A_37 = arith.constant 512 : i32
    %dma_start3A_38 = tpu.memref_slice %arg5[%dma_start3A_37] : memref<1280xi32, #tpu.memory_space<vmem>> -> memref<128xi32, #tpu.memory_space<vmem>>
    %dma_start3A_39 = arith.constant 0 : i32
    %dma_start3A_40 = arith.constant 0 : i32
    %dma_start3A_41 = tpu.memref_slice %arg2[%dma_start3A_39, %dma_start3A_40] : memref<50000x16xf32, #tpu.memory_space<hbm>> -> memref<50000x16xf32, #tpu.memory_space<hbm>>
    tpu.enqueue_indirect_dma source(%dma_start3A_41 : memref<50000x16xf32, #tpu.memory_space<hbm>>) target(%dma_start3A_36 : memref<128x16xf32, #tpu.memory_space<vmem>>) offsets(%dma_start3A_38 : memref<128xi32, #tpu.memory_space<vmem>>) semaphore(%arg7 : memref<!tpu.dma_semaphore, #tpu.memory_space<semaphore_mem>>)
    %dma_start3A_42 = arith.constant 640 : i32
    %dma_start3A_43 = arith.constant 0 : i32
    %dma_start3A_44 = tpu.memref_slice %arg6[%dma_start3A_42, %dma_start3A_43] : memref<1280x16xf32, #tpu.memory_space<vmem>> -> memref<128x16xf32, #tpu.memory_space<vmem>>
    %dma_start3A_45 = arith.constant 640 : i32
    %dma_start3A_46 = tpu.memref_slice %arg5[%dma_start3A_45] : memref<1280xi32, #tpu.memory_space<vmem>> -> memref<128xi32, #tpu.memory_space<vmem>>
    %dma_start3A_47 = arith.constant 0 : i32
    %dma_start3A_48 = arith.constant 0 : i32
    %dma_start3A_49 = tpu.memref_slice %arg2[%dma_start3A_47, %dma_start3A_48] : memref<50000x16xf32, #tpu.memory_space<hbm>> -> memref<50000x16xf32, #tpu.memory_space<hbm>>
    tpu.enqueue_indirect_dma source(%dma_start3A_49 : memref<50000x16xf32, #tpu.memory_space<hbm>>) target(%dma_start3A_44 : memref<128x16xf32, #tpu.memory_space<vmem>>) offsets(%dma_start3A_46 : memref<128xi32, #tpu.memory_space<vmem>>) semaphore(%arg7 : memref<!tpu.dma_semaphore, #tpu.memory_space<semaphore_mem>>)
    %dma_start3A_50 = arith.constant 768 : i32
    %dma_start3A_51 = arith.constant 0 : i32
    %dma_start3A_52 = tpu.memref_slice %arg6[%dma_start3A_50, %dma_start3A_51] : memref<1280x16xf32, #tpu.memory_space<vmem>> -> memref<128x16xf32, #tpu.memory_space<vmem>>
    %dma_start3A_53 = arith.constant 768 : i32
    %dma_start3A_54 = tpu.memref_slice %arg5[%dma_start3A_53] : memref<1280xi32, #tpu.memory_space<vmem>> -> memref<128xi32, #tpu.memory_space<vmem>>
    %dma_start3A_55 = arith.constant 0 : i32
    %dma_start3A_56 = arith.constant 0 : i32
    %dma_start3A_57 = tpu.memref_slice %arg2[%dma_start3A_55, %dma_start3A_56] : memref<50000x16xf32, #tpu.memory_space<hbm>> -> memref<50000x16xf32, #tpu.memory_space<hbm>>
    tpu.enqueue_indirect_dma source(%dma_start3A_57 : memref<50000x16xf32, #tpu.memory_space<hbm>>) target(%dma_start3A_52 : memref<128x16xf32, #tpu.memory_space<vmem>>) offsets(%dma_start3A_54 : memref<128xi32, #tpu.memory_space<vmem>>) semaphore(%arg7 : memref<!tpu.dma_semaphore, #tpu.memory_space<semaphore_mem>>)
    %dma_start3A_58 = arith.constant 896 : i32
    %dma_start3A_59 = arith.constant 0 : i32
    %dma_start3A_60 = tpu.memref_slice %arg6[%dma_start3A_58, %dma_start3A_59] : memref<1280x16xf32, #tpu.memory_space<vmem>> -> memref<128x16xf32, #tpu.memory_space<vmem>>
    %dma_start3A_61 = arith.constant 896 : i32
    %dma_start3A_62 = tpu.memref_slice %arg5[%dma_start3A_61] : memref<1280xi32, #tpu.memory_space<vmem>> -> memref<128xi32, #tpu.memory_space<vmem>>
    %dma_start3A_63 = arith.constant 0 : i32
    %dma_start3A_64 = arith.constant 0 : i32
    %dma_start3A_65 = tpu.memref_slice %arg2[%dma_start3A_63, %dma_start3A_64] : memref<50000x16xf32, #tpu.memory_space<hbm>> -> memref<50000x16xf32, #tpu.memory_space<hbm>>
    tpu.enqueue_indirect_dma source(%dma_start3A_65 : memref<50000x16xf32, #tpu.memory_space<hbm>>) target(%dma_start3A_60 : memref<128x16xf32, #tpu.memory_space<vmem>>) offsets(%dma_start3A_62 : memref<128xi32, #tpu.memory_space<vmem>>) semaphore(%arg7 : memref<!tpu.dma_semaphore, #tpu.memory_space<semaphore_mem>>)
    %dma_start3A_66 = arith.constant 1024 : i32
    %dma_start3A_67 = arith.constant 0 : i32
    %dma_start3A_68 = tpu.memref_slice %arg6[%dma_start3A_66, %dma_start3A_67] : memref<1280x16xf32, #tpu.memory_space<vmem>> -> memref<128x16xf32, #tpu.memory_space<vmem>>
    %dma_start3A_69 = arith.constant 1024 : i32
    %dma_start3A_70 = tpu.memref_slice %arg5[%dma_start3A_69] : memref<1280xi32, #tpu.memory_space<vmem>> -> memref<128xi32, #tpu.memory_space<vmem>>
    %dma_start3A_71 = arith.constant 0 : i32
    %dma_start3A_72 = arith.constant 0 : i32
    %dma_start3A_73 = tpu.memref_slice %arg2[%dma_start3A_71, %dma_start3A_72] : memref<50000x16xf32, #tpu.memory_space<hbm>> -> memref<50000x16xf32, #tpu.memory_space<hbm>>
    tpu.enqueue_indirect_dma source(%dma_start3A_73 : memref<50000x16xf32, #tpu.memory_space<hbm>>) target(%dma_start3A_68 : memref<128x16xf32, #tpu.memory_space<vmem>>) offsets(%dma_start3A_70 : memref<128xi32, #tpu.memory_space<vmem>>) semaphore(%arg7 : memref<!tpu.dma_semaphore, #tpu.memory_space<semaphore_mem>>)
    %dma_start3A_74 = arith.constant 1152 : i32
    %dma_start3A_75 = arith.constant 0 : i32
    %dma_start3A_76 = tpu.memref_slice %arg6[%dma_start3A_74, %dma_start3A_75] : memref<1280x16xf32, #tpu.memory_space<vmem>> -> memref<128x16xf32, #tpu.memory_space<vmem>>
    %dma_start3A_77 = arith.constant 1152 : i32
    %dma_start3A_78 = tpu.memref_slice %arg5[%dma_start3A_77] : memref<1280xi32, #tpu.memory_space<vmem>> -> memref<128xi32, #tpu.memory_space<vmem>>
    %dma_start3A_79 = arith.constant 0 : i32
    %dma_start3A_80 = arith.constant 0 : i32
    %dma_start3A_81 = tpu.memref_slice %arg2[%dma_start3A_79, %dma_start3A_80] : memref<50000x16xf32, #tpu.memory_space<hbm>> -> memref<50000x16xf32, #tpu.memory_space<hbm>>
    tpu.enqueue_indirect_dma source(%dma_start3A_81 : memref<50000x16xf32, #tpu.memory_space<hbm>>) target(%dma_start3A_76 : memref<128x16xf32, #tpu.memory_space<vmem>>) offsets(%dma_start3A_78 : memref<128xi32, #tpu.memory_space<vmem>>) semaphore(%arg7 : memref<!tpu.dma_semaphore, #tpu.memory_space<semaphore_mem>>)
    %dma_wait3A = arith.constant 0 : i32
    %dma_wait3A_82 = arith.constant 0 : i32
    %dma_wait3A_83 = tpu.memref_slice %arg6[%dma_wait3A, %dma_wait3A_82] : memref<1280x16xf32, #tpu.memory_space<vmem>> -> memref<128x16xf32, #tpu.memory_space<vmem>>
    %dma_wait3A_84 = arith.constant 0 : i32
    %dma_wait3A_85 = tpu.memref_slice %arg5[%dma_wait3A_84] : memref<1280xi32, #tpu.memory_space<vmem>> -> memref<128xi32, #tpu.memory_space<vmem>>
    %dma_wait3A_86 = arith.constant 0 : i32
    %dma_wait3A_87 = arith.constant 0 : i32
    %dma_wait3A_88 = tpu.memref_slice %arg2[%dma_wait3A_86, %dma_wait3A_87] : memref<50000x16xf32, #tpu.memory_space<hbm>> -> memref<50000x16xf32, #tpu.memory_space<hbm>>
    tpu.wait_indirect_dma semaphore(%arg7 : memref<!tpu.dma_semaphore, #tpu.memory_space<semaphore_mem>>) src(%dma_wait3A_88 : memref<50000x16xf32, #tpu.memory_space<hbm>>) dst(%dma_wait3A_83 : memref<128x16xf32, #tpu.memory_space<vmem>>)
    %dma_wait3A_89 = arith.constant 128 : i32
    %dma_wait3A_90 = arith.constant 0 : i32
    %dma_wait3A_91 = tpu.memref_slice %arg6[%dma_wait3A_89, %dma_wait3A_90] : memref<1280x16xf32, #tpu.memory_space<vmem>> -> memref<128x16xf32, #tpu.memory_space<vmem>>
    %dma_wait3A_92 = arith.constant 128 : i32
    %dma_wait3A_93 = tpu.memref_slice %arg5[%dma_wait3A_92] : memref<1280xi32, #tpu.memory_space<vmem>> -> memref<128xi32, #tpu.memory_space<vmem>>
    %dma_wait3A_94 = arith.constant 0 : i32
    %dma_wait3A_95 = arith.constant 0 : i32
    %dma_wait3A_96 = tpu.memref_slice %arg2[%dma_wait3A_94, %dma_wait3A_95] : memref<50000x16xf32, #tpu.memory_space<hbm>> -> memref<50000x16xf32, #tpu.memory_space<hbm>>
    tpu.wait_indirect_dma semaphore(%arg7 : memref<!tpu.dma_semaphore, #tpu.memory_space<semaphore_mem>>) src(%dma_wait3A_96 : memref<50000x16xf32, #tpu.memory_space<hbm>>) dst(%dma_wait3A_91 : memref<128x16xf32, #tpu.memory_space<vmem>>)
    %dma_wait3A_97 = arith.constant 256 : i32
    %dma_wait3A_98 = arith.constant 0 : i32
    %dma_wait3A_99 = tpu.memref_slice %arg6[%dma_wait3A_97, %dma_wait3A_98] : memref<1280x16xf32, #tpu.memory_space<vmem>> -> memref<128x16xf32, #tpu.memory_space<vmem>>
    %dma_wait3A_100 = arith.constant 256 : i32
    %dma_wait3A_101 = tpu.memref_slice %arg5[%dma_wait3A_100] : memref<1280xi32, #tpu.memory_space<vmem>> -> memref<128xi32, #tpu.memory_space<vmem>>
    %dma_wait3A_102 = arith.constant 0 : i32
    %dma_wait3A_103 = arith.constant 0 : i32
    %dma_wait3A_104 = tpu.memref_slice %arg2[%dma_wait3A_102, %dma_wait3A_103] : memref<50000x16xf32, #tpu.memory_space<hbm>> -> memref<50000x16xf32, #tpu.memory_space<hbm>>
    tpu.wait_indirect_dma semaphore(%arg7 : memref<!tpu.dma_semaphore, #tpu.memory_space<semaphore_mem>>) src(%dma_wait3A_104 : memref<50000x16xf32, #tpu.memory_space<hbm>>) dst(%dma_wait3A_99 : memref<128x16xf32, #tpu.memory_space<vmem>>)
    %dma_wait3A_105 = arith.constant 384 : i32
    %dma_wait3A_106 = arith.constant 0 : i32
    %dma_wait3A_107 = tpu.memref_slice %arg6[%dma_wait3A_105, %dma_wait3A_106] : memref<1280x16xf32, #tpu.memory_space<vmem>> -> memref<128x16xf32, #tpu.memory_space<vmem>>
    %dma_wait3A_108 = arith.constant 384 : i32
    %dma_wait3A_109 = tpu.memref_slice %arg5[%dma_wait3A_108] : memref<1280xi32, #tpu.memory_space<vmem>> -> memref<128xi32, #tpu.memory_space<vmem>>
    %dma_wait3A_110 = arith.constant 0 : i32
    %dma_wait3A_111 = arith.constant 0 : i32
    %dma_wait3A_112 = tpu.memref_slice %arg2[%dma_wait3A_110, %dma_wait3A_111] : memref<50000x16xf32, #tpu.memory_space<hbm>> -> memref<50000x16xf32, #tpu.memory_space<hbm>>
    tpu.wait_indirect_dma semaphore(%arg7 : memref<!tpu.dma_semaphore, #tpu.memory_space<semaphore_mem>>) src(%dma_wait3A_112 : memref<50000x16xf32, #tpu.memory_space<hbm>>) dst(%dma_wait3A_107 : memref<128x16xf32, #tpu.memory_space<vmem>>)
    %dma_wait3A_113 = arith.constant 512 : i32
    %dma_wait3A_114 = arith.constant 0 : i32
    %dma_wait3A_115 = tpu.memref_slice %arg6[%dma_wait3A_113, %dma_wait3A_114] : memref<1280x16xf32, #tpu.memory_space<vmem>> -> memref<128x16xf32, #tpu.memory_space<vmem>>
    %dma_wait3A_116 = arith.constant 512 : i32
    %dma_wait3A_117 = tpu.memref_slice %arg5[%dma_wait3A_116] : memref<1280xi32, #tpu.memory_space<vmem>> -> memref<128xi32, #tpu.memory_space<vmem>>
    %dma_wait3A_118 = arith.constant 0 : i32
    %dma_wait3A_119 = arith.constant 0 : i32
    %dma_wait3A_120 = tpu.memref_slice %arg2[%dma_wait3A_118, %dma_wait3A_119] : memref<50000x16xf32, #tpu.memory_space<hbm>> -> memref<50000x16xf32, #tpu.memory_space<hbm>>
    tpu.wait_indirect_dma semaphore(%arg7 : memref<!tpu.dma_semaphore, #tpu.memory_space<semaphore_mem>>) src(%dma_wait3A_120 : memref<50000x16xf32, #tpu.memory_space<hbm>>) dst(%dma_wait3A_115 : memref<128x16xf32, #tpu.memory_space<vmem>>)
    %dma_wait3A_121 = arith.constant 640 : i32
    %dma_wait3A_122 = arith.constant 0 : i32
    %dma_wait3A_123 = tpu.memref_slice %arg6[%dma_wait3A_121, %dma_wait3A_122] : memref<1280x16xf32, #tpu.memory_space<vmem>> -> memref<128x16xf32, #tpu.memory_space<vmem>>
    %dma_wait3A_124 = arith.constant 640 : i32
    %dma_wait3A_125 = tpu.memref_slice %arg5[%dma_wait3A_124] : memref<1280xi32, #tpu.memory_space<vmem>> -> memref<128xi32, #tpu.memory_space<vmem>>
    %dma_wait3A_126 = arith.constant 0 : i32
    %dma_wait3A_127 = arith.constant 0 : i32
    %dma_wait3A_128 = tpu.memref_slice %arg2[%dma_wait3A_126, %dma_wait3A_127] : memref<50000x16xf32, #tpu.memory_space<hbm>> -> memref<50000x16xf32, #tpu.memory_space<hbm>>
    tpu.wait_indirect_dma semaphore(%arg7 : memref<!tpu.dma_semaphore, #tpu.memory_space<semaphore_mem>>) src(%dma_wait3A_128 : memref<50000x16xf32, #tpu.memory_space<hbm>>) dst(%dma_wait3A_123 : memref<128x16xf32, #tpu.memory_space<vmem>>)
    %dma_wait3A_129 = arith.constant 768 : i32
    %dma_wait3A_130 = arith.constant 0 : i32
    %dma_wait3A_131 = tpu.memref_slice %arg6[%dma_wait3A_129, %dma_wait3A_130] : memref<1280x16xf32, #tpu.memory_space<vmem>> -> memref<128x16xf32, #tpu.memory_space<vmem>>
    %dma_wait3A_132 = arith.constant 768 : i32
    %dma_wait3A_133 = tpu.memref_slice %arg5[%dma_wait3A_132] : memref<1280xi32, #tpu.memory_space<vmem>> -> memref<128xi32, #tpu.memory_space<vmem>>
    %dma_wait3A_134 = arith.constant 0 : i32
    %dma_wait3A_135 = arith.constant 0 : i32
    %dma_wait3A_136 = tpu.memref_slice %arg2[%dma_wait3A_134, %dma_wait3A_135] : memref<50000x16xf32, #tpu.memory_space<hbm>> -> memref<50000x16xf32, #tpu.memory_space<hbm>>
    tpu.wait_indirect_dma semaphore(%arg7 : memref<!tpu.dma_semaphore, #tpu.memory_space<semaphore_mem>>) src(%dma_wait3A_136 : memref<50000x16xf32, #tpu.memory_space<hbm>>) dst(%dma_wait3A_131 : memref<128x16xf32, #tpu.memory_space<vmem>>)
    %dma_wait3A_137 = arith.constant 896 : i32
    %dma_wait3A_138 = arith.constant 0 : i32
    %dma_wait3A_139 = tpu.memref_slice %arg6[%dma_wait3A_137, %dma_wait3A_138] : memref<1280x16xf32, #tpu.memory_space<vmem>> -> memref<128x16xf32, #tpu.memory_space<vmem>>
    %dma_wait3A_140 = arith.constant 896 : i32
    %dma_wait3A_141 = tpu.memref_slice %arg5[%dma_wait3A_140] : memref<1280xi32, #tpu.memory_space<vmem>> -> memref<128xi32, #tpu.memory_space<vmem>>
    %dma_wait3A_142 = arith.constant 0 : i32
    %dma_wait3A_143 = arith.constant 0 : i32
    %dma_wait3A_144 = tpu.memref_slice %arg2[%dma_wait3A_142, %dma_wait3A_143] : memref<50000x16xf32, #tpu.memory_space<hbm>> -> memref<50000x16xf32, #tpu.memory_space<hbm>>
    tpu.wait_indirect_dma semaphore(%arg7 : memref<!tpu.dma_semaphore, #tpu.memory_space<semaphore_mem>>) src(%dma_wait3A_144 : memref<50000x16xf32, #tpu.memory_space<hbm>>) dst(%dma_wait3A_139 : memref<128x16xf32, #tpu.memory_space<vmem>>)
    %dma_wait3A_145 = arith.constant 1024 : i32
    %dma_wait3A_146 = arith.constant 0 : i32
    %dma_wait3A_147 = tpu.memref_slice %arg6[%dma_wait3A_145, %dma_wait3A_146] : memref<1280x16xf32, #tpu.memory_space<vmem>> -> memref<128x16xf32, #tpu.memory_space<vmem>>
    %dma_wait3A_148 = arith.constant 1024 : i32
    %dma_wait3A_149 = tpu.memref_slice %arg5[%dma_wait3A_148] : memref<1280xi32, #tpu.memory_space<vmem>> -> memref<128xi32, #tpu.memory_space<vmem>>
    %dma_wait3A_150 = arith.constant 0 : i32
    %dma_wait3A_151 = arith.constant 0 : i32
    %dma_wait3A_152 = tpu.memref_slice %arg2[%dma_wait3A_150, %dma_wait3A_151] : memref<50000x16xf32, #tpu.memory_space<hbm>> -> memref<50000x16xf32, #tpu.memory_space<hbm>>
    tpu.wait_indirect_dma semaphore(%arg7 : memref<!tpu.dma_semaphore, #tpu.memory_space<semaphore_mem>>) src(%dma_wait3A_152 : memref<50000x16xf32, #tpu.memory_space<hbm>>) dst(%dma_wait3A_147 : memref<128x16xf32, #tpu.memory_space<vmem>>)
    %dma_wait3A_153 = arith.constant 1152 : i32
    %dma_wait3A_154 = arith.constant 0 : i32
    %dma_wait3A_155 = tpu.memref_slice %arg6[%dma_wait3A_153, %dma_wait3A_154] : memref<1280x16xf32, #tpu.memory_space<vmem>> -> memref<128x16xf32, #tpu.memory_space<vmem>>
    %dma_wait3A_156 = arith.constant 1152 : i32
    %dma_wait3A_157 = tpu.memref_slice %arg5[%dma_wait3A_156] : memref<1280xi32, #tpu.memory_space<vmem>> -> memref<128xi32, #tpu.memory_space<vmem>>
    %dma_wait3A_158 = arith.constant 0 : i32
    %dma_wait3A_159 = arith.constant 0 : i32
    %dma_wait3A_160 = tpu.memref_slice %arg2[%dma_wait3A_158, %dma_wait3A_159] : memref<50000x16xf32, #tpu.memory_space<hbm>> -> memref<50000x16xf32, #tpu.memory_space<hbm>>
    tpu.wait_indirect_dma semaphore(%arg7 : memref<!tpu.dma_semaphore, #tpu.memory_space<semaphore_mem>>) src(%dma_wait3A_160 : memref<50000x16xf32, #tpu.memory_space<hbm>>) dst(%dma_wait3A_155 : memref<128x16xf32, #tpu.memory_space<vmem>>)
    "tpu.region"() ({
      %run_scoped3A = tpu.sem_alloc : memref<!tpu.dma_semaphore, #tpu.memory_space<semaphore_mem>>
      %dma_start3A_161 = arith.constant 0 : i32
      %dma_start3A_162 = tpu.memref_slice %arg4[%mul3A_2, %dma_start3A_161] : memref<40960x16xf32, #tpu.memory_space<hbm>> -> memref<1280x16xf32, #tpu.memory_space<hbm>>
      %dma_start3A_163 = arith.constant 0 : i32
      %dma_start3A_164 = tpu.memref_slice %arg4[%mul3A_2, %dma_start3A_163] : memref<40960x16xf32, #tpu.memory_space<hbm>> -> memref<1280x16xf32, #tpu.memory_space<hbm>>
      tpu.enqueue_dma source(%arg6 : memref<1280x16xf32, #tpu.memory_space<vmem>>) target(%dma_start3A_164 : memref<1280x16xf32, #tpu.memory_space<hbm>>) target_semaphore(%run_scoped3A : memref<!tpu.dma_semaphore, #tpu.memory_space<semaphore_mem>>)
      %dma_wait3A_165 = arith.constant 0 : i32
      %dma_wait3A_166 = tpu.memref_slice %arg4[%mul3A_2, %dma_wait3A_165] : memref<40960x16xf32, #tpu.memory_space<hbm>> -> memref<1280x16xf32, #tpu.memory_space<hbm>>
      %dma_wait3A_167 = arith.constant 0 : i32
      %dma_wait3A_168 = tpu.memref_slice %arg4[%mul3A_2, %dma_wait3A_167] : memref<40960x16xf32, #tpu.memory_space<hbm>> -> memref<1280x16xf32, #tpu.memory_space<hbm>>
      tpu.wait_dma2 semaphore(%run_scoped3A : memref<!tpu.dma_semaphore, #tpu.memory_space<semaphore_mem>>) src(%arg6 : memref<1280x16xf32, #tpu.memory_space<vmem>>) dst(%dma_wait3A_168 : memref<1280x16xf32, #tpu.memory_space<hbm>>)
      tpu.yield
    }) : () -> ()
    return
  }
}

module attributes {stable_mosaic.version = 14 : i64} {
  func.func @_tc_body(%arg0: i32, %arg1: memref<3125x128xf32, #tpu.memory_space<vmem>>, %arg2: memref<3125x128xf32, #tpu.memory_space<vmem>>, %arg3: memref<4096x16xf32, #tpu.memory_space<vmem>>, %arg4: memref<4096x16xf32, #tpu.memory_space<vmem>>, %arg5: memref<8192x16xf32, #tpu.memory_space<vmem>>, %arg6: memref<4096x1xf32, #tpu.memory_space<vmem>>, %arg7: memref<2x8xf32, #tpu.memory_space<vmem>>, %arg8: memref<1x1xf32, #tpu.memory_space<vmem>>, %arg9: memref<2x8xf32, #tpu.memory_space<vmem>>, %arg10: memref<5120x1xf32, #tpu.memory_space<vmem>>, %arg11: memref<5120x1xf32, #tpu.memory_space<vmem>>, %arg12: memref<5120x1xf32, #tpu.memory_space<vmem>>, %arg13: memref<1x5120xf32, #tpu.memory_space<vmem>>, %arg14: memref<1x5120xf32, #tpu.memory_space<vmem>>, %arg15: memref<1x5120xf32, #tpu.memory_space<vmem>>, %arg16: memref<3xf32, #tpu.memory_space<smem>>) attributes {dimension_semantics = [#tpu.dimension_semantics<arbitrary>], iteration_bounds = array<i64: 60>, scalar_prefetch = 0 : i64, scratch_operands = 8 : i64, tpu.core_type = #tpu.core_type<tc>, window_params = [{pipeline_mode = #tpu.pipeline_mode<synchronous>, transform_indices = @transform_0, window_bounds = array<i64: 3125, 128>}, {pipeline_mode = #tpu.pipeline_mode<synchronous>, transform_indices = @transform_1, window_bounds = array<i64: 3125, 128>}, {transform_indices = @transform_2, window_bounds = array<i64: 4096, 16>}, {transform_indices = @transform_3, window_bounds = array<i64: 4096, 16>}, {transform_indices = @transform_4, window_bounds = array<i64: 8192, 16>}, {transform_indices = @transform_5, window_bounds = array<i64: 4096, 1>}, {pipeline_mode = #tpu.pipeline_mode<synchronous>, transform_indices = @transform_6, window_bounds = array<i64: 2, 8>}, {pipeline_mode = #tpu.pipeline_mode<synchronous>, transform_indices = @transform_7, window_bounds = array<i64: 1, 1>}]} {
    %eq3A = arith.constant 0 : i32
    %eq3A_0 = arith.cmpi eq, %arg0, %eq3A : i32
    %convert_element_type3A = arith.extui %eq3A_0 : i1 to i32
    %cond3A = arith.constant 0 : i32
    %cond3A_1 = arith.cmpi ne, %convert_element_type3A, %cond3A : i32
    scf.if %cond3A_1 {
      %get3A = arith.constant 0 : index
      %get3A_17 = arith.constant 0 : index
      %get3A_18 = vector.load %arg1[%get3A, %get3A_17] : memref<3125x128xf32, #tpu.memory_space<vmem>>, vector<3125x128xf32>
      %exp3A = math.exp %get3A_18 : vector<3125x128xf32>
      %iota3A = tpu.iota {dimensions = array<i32: 0>} : vector<128x128xi32>
      %jit3A = arith.constant 8 : i32
      %div3A = vector.broadcast %jit3A : i32 to vector<128x128xi32>
      %div3A_19 = arith.divsi %iota3A, %div3A : vector<128x128xi32>
      %sign3A = arith.constant 0 : i32
      %sign3A_20 = vector.broadcast %sign3A : i32 to vector<128x128xi32>
      %sign3A_21 = arith.cmpi sgt, %iota3A, %sign3A_20 : vector<128x128xi32>
      %sign3A_22 = arith.extui %sign3A_21 : vector<128x128xi1> to vector<128x128xi32>
      %sign3A_23 = arith.constant 0 : i32
      %sign3A_24 = vector.broadcast %sign3A_23 : i32 to vector<128x128xi32>
      %sign3A_25 = arith.cmpi slt, %iota3A, %sign3A_24 : vector<128x128xi32>
      %sign3A_26 = arith.extui %sign3A_25 : vector<128x128xi1> to vector<128x128xi32>
      %sign3A_27 = arith.subi %sign3A_22, %sign3A_26 : vector<128x128xi32>
      %sign3A_28 = arith.constant 0 : i32
      %sign3A_29 = arith.cmpi sgt, %jit3A, %sign3A_28 : i32
      %sign3A_30 = arith.extui %sign3A_29 : i1 to i32
      %sign3A_31 = arith.constant 0 : i32
      %sign3A_32 = arith.cmpi slt, %jit3A, %sign3A_31 : i32
      %sign3A_33 = arith.extui %sign3A_32 : i1 to i32
      %sign3A_34 = arith.subi %sign3A_30, %sign3A_33 : i32
      %ne3A = vector.broadcast %sign3A_34 : i32 to vector<128x128xi32>
      %ne3A_35 = arith.cmpi ne, %sign3A_27, %ne3A : vector<128x128xi32>
      %rem3A = vector.broadcast %jit3A : i32 to vector<128x128xi32>
      %rem3A_36 = arith.remsi %iota3A, %rem3A : vector<128x128xi32>
      %ne3A_37 = arith.constant 0 : i32
      %ne3A_38 = vector.broadcast %ne3A_37 : i32 to vector<128x128xi32>
      %ne3A_39 = arith.cmpi ne, %rem3A_36, %ne3A_38 : vector<128x128xi32>
      %and3A_40 = arith.andi %ne3A_35, %ne3A_39 : vector<128x128xi1>
      %sub3A = arith.constant 1 : i32
      %sub3A_41 = vector.broadcast %sub3A : i32 to vector<128x128xi32>
      %sub3A_42 = arith.subi %div3A_19, %sub3A_41 : vector<128x128xi32>
      %select_n3A = arith.select %and3A_40, %sub3A_42, %div3A_19 : vector<128x128xi1>, vector<128x128xi32>
      %iota3A_43 = tpu.iota {dimensions = array<i32: 1>} : vector<128x128xi32>
      %jit3A_44 = arith.constant 8 : i32
      %div3A_45 = vector.broadcast %jit3A_44 : i32 to vector<128x128xi32>
      %div3A_46 = arith.divsi %iota3A_43, %div3A_45 : vector<128x128xi32>
      %sign3A_47 = arith.constant 0 : i32
      %sign3A_48 = vector.broadcast %sign3A_47 : i32 to vector<128x128xi32>
      %sign3A_49 = arith.cmpi sgt, %iota3A_43, %sign3A_48 : vector<128x128xi32>
      %sign3A_50 = arith.extui %sign3A_49 : vector<128x128xi1> to vector<128x128xi32>
      %sign3A_51 = arith.constant 0 : i32
      %sign3A_52 = vector.broadcast %sign3A_51 : i32 to vector<128x128xi32>
      %sign3A_53 = arith.cmpi slt, %iota3A_43, %sign3A_52 : vector<128x128xi32>
      %sign3A_54 = arith.extui %sign3A_53 : vector<128x128xi1> to vector<128x128xi32>
      %sign3A_55 = arith.subi %sign3A_50, %sign3A_54 : vector<128x128xi32>
      %sign3A_56 = arith.constant 0 : i32
      %sign3A_57 = arith.cmpi sgt, %jit3A_44, %sign3A_56 : i32
      %sign3A_58 = arith.extui %sign3A_57 : i1 to i32
      %sign3A_59 = arith.constant 0 : i32
      %sign3A_60 = arith.cmpi slt, %jit3A_44, %sign3A_59 : i32
      %sign3A_61 = arith.extui %sign3A_60 : i1 to i32
      %sign3A_62 = arith.subi %sign3A_58, %sign3A_61 : i32
      %ne3A_63 = vector.broadcast %sign3A_62 : i32 to vector<128x128xi32>
      %ne3A_64 = arith.cmpi ne, %sign3A_55, %ne3A_63 : vector<128x128xi32>
      %rem3A_65 = vector.broadcast %jit3A_44 : i32 to vector<128x128xi32>
      %rem3A_66 = arith.remsi %iota3A_43, %rem3A_65 : vector<128x128xi32>
      %ne3A_67 = arith.constant 0 : i32
      %ne3A_68 = vector.broadcast %ne3A_67 : i32 to vector<128x128xi32>
      %ne3A_69 = arith.cmpi ne, %rem3A_66, %ne3A_68 : vector<128x128xi32>
      %and3A_70 = arith.andi %ne3A_64, %ne3A_69 : vector<128x128xi1>
      %sub3A_71 = arith.constant 1 : i32
      %sub3A_72 = vector.broadcast %sub3A_71 : i32 to vector<128x128xi32>
      %sub3A_73 = arith.subi %div3A_46, %sub3A_72 : vector<128x128xi32>
      %select_n3A_74 = arith.select %and3A_70, %sub3A_73, %div3A_46 : vector<128x128xi1>, vector<128x128xi32>
      %eq3A_75 = arith.cmpi eq, %select_n3A, %select_n3A_74 : vector<128x128xi32>
      %convert_element_type3A_76 = arith.extui %eq3A_75 : vector<128x128xi1> to vector<128x128xi32>
      %convert_element_type3A_77 = arith.sitofp %convert_element_type3A_76 : vector<128x128xi32> to vector<128x128xf32>
      %dot_general3A = arith.constant dense<0.000000e+00> : vector<3125x128xf32>
      %dot_general3A_78 = tpu.matmul %exp3A, %convert_element_type3A_77, %dot_general3A {dimension_numbers = #tpu.dot_dimension_numbers<[1], [0], [0], [1], [0, 0, 1, 1], [], []>, precision = #tpu.contract_precision<fp32>, transpose_lhs_hint = false} : vector<3125x128xf32>, vector<128x128xf32>, vector<3125x128xf32> -> vector<3125x128xf32>
      %div3A_79 = arith.divf %exp3A, %dot_general3A_78 : vector<3125x128xf32>
      %get3A_80 = arith.constant 0 : index
      %get3A_81 = arith.constant 0 : index
      %get3A_82 = vector.load %arg2[%get3A_80, %get3A_81] : memref<3125x128xf32, #tpu.memory_space<vmem>>, vector<3125x128xf32>
      %neg3A = arith.constant 0.000000e+00 : f32
      %neg3A_83 = vector.broadcast %neg3A : f32 to vector<3125x128xf32>
      %neg3A_84 = arith.subf %neg3A_83, %get3A_82 : vector<3125x128xf32>
      %exp3A_85 = math.exp %neg3A_84 : vector<3125x128xf32>
      %add3A = arith.constant 1.000000e+00 : f32
      %add3A_86 = vector.broadcast %add3A : f32 to vector<3125x128xf32>
      %add3A_87 = arith.addf %add3A_86, %exp3A_85 : vector<3125x128xf32>
      %div3A_88 = arith.constant 1.000000e+00 : f32
      %div3A_89 = vector.broadcast %div3A_88 : f32 to vector<3125x128xf32>
      %div3A_90 = arith.divf %div3A_89, %add3A_87 : vector<3125x128xf32>
      %mul3A = arith.mulf %div3A_79, %div3A_90 : vector<3125x128xf32>
      %dot_general3A_91 = arith.constant dense<0.000000e+00> : vector<128x128xf32>
      %dot_general3A_92 = tpu.matmul %div3A_79, %mul3A, %dot_general3A_91 {dimension_numbers = #tpu.dot_dimension_numbers<[0], [0], [1], [1], [0, 1, 1, 1], [], []>, precision = #tpu.contract_precision<fp32>, transpose_lhs_hint = false} : vector<3125x128xf32>, vector<3125x128xf32>, vector<128x128xf32> -> vector<128x128xf32>
      %reduce_sum3A = arith.constant dense<0.000000e+00> : vector<128xf32>
      %reduce_sum3A_93 = vector.multi_reduction <add>, %mul3A, %reduce_sum3A [0] : vector<3125x128xf32> to vector<128xf32>
      %broadcast_in_dim3A = vector.shape_cast %reduce_sum3A_93 : vector<128xf32> to vector<1x128xf32>
      %broadcast_in_dim3A_94 = arith.constant 0.000000e+00 : f32
      %broadcast_in_dim3A_95 = vector.broadcast %broadcast_in_dim3A_94 : f32 to vector<8x8xf32>
      %broadcast_in_dim3A_96 = arith.constant 0.000000e+00 : f32
      %broadcast_in_dim3A_97 = vector.broadcast %broadcast_in_dim3A_96 : f32 to vector<1x8xf32>
      %slice3A = vector.extract_strided_slice %dot_general3A_92 {offsets = [0, 0], sizes = [8, 8], strides = [1, 1]} : vector<128x128xf32> to vector<8x8xf32>
      %add3A_98 = arith.addf %broadcast_in_dim3A_95, %slice3A : vector<8x8xf32>
      %slice3A_99 = vector.extract_strided_slice %broadcast_in_dim3A {offsets = [0, 0], sizes = [1, 8], strides = [1, 1]} : vector<1x128xf32> to vector<1x8xf32>
      %add3A_100 = arith.addf %broadcast_in_dim3A_97, %slice3A_99 : vector<1x8xf32>
      %slice3A_101 = vector.extract_strided_slice %dot_general3A_92 {offsets = [8, 8], sizes = [8, 8], strides = [1, 1]} : vector<128x128xf32> to vector<8x8xf32>
      %add3A_102 = arith.addf %add3A_98, %slice3A_101 : vector<8x8xf32>
      %slice3A_103 = vector.extract_strided_slice %broadcast_in_dim3A {offsets = [0, 8], sizes = [1, 8], strides = [1, 1]} : vector<1x128xf32> to vector<1x8xf32>
      %add3A_104 = arith.addf %add3A_100, %slice3A_103 : vector<1x8xf32>
      %slice3A_105 = vector.extract_strided_slice %dot_general3A_92 {offsets = [16, 16], sizes = [8, 8], strides = [1, 1]} : vector<128x128xf32> to vector<8x8xf32>
      %add3A_106 = arith.addf %add3A_102, %slice3A_105 : vector<8x8xf32>
      %slice3A_107 = vector.extract_strided_slice %broadcast_in_dim3A {offsets = [0, 16], sizes = [1, 8], strides = [1, 1]} : vector<1x128xf32> to vector<1x8xf32>
      %add3A_108 = arith.addf %add3A_104, %slice3A_107 : vector<1x8xf32>
      %slice3A_109 = vector.extract_strided_slice %dot_general3A_92 {offsets = [24, 24], sizes = [8, 8], strides = [1, 1]} : vector<128x128xf32> to vector<8x8xf32>
      %add3A_110 = arith.addf %add3A_106, %slice3A_109 : vector<8x8xf32>
      %slice3A_111 = vector.extract_strided_slice %broadcast_in_dim3A {offsets = [0, 24], sizes = [1, 8], strides = [1, 1]} : vector<1x128xf32> to vector<1x8xf32>
      %add3A_112 = arith.addf %add3A_108, %slice3A_111 : vector<1x8xf32>
      %slice3A_113 = vector.extract_strided_slice %dot_general3A_92 {offsets = [32, 32], sizes = [8, 8], strides = [1, 1]} : vector<128x128xf32> to vector<8x8xf32>
      %add3A_114 = arith.addf %add3A_110, %slice3A_113 : vector<8x8xf32>
      %slice3A_115 = vector.extract_strided_slice %broadcast_in_dim3A {offsets = [0, 32], sizes = [1, 8], strides = [1, 1]} : vector<1x128xf32> to vector<1x8xf32>
      %add3A_116 = arith.addf %add3A_112, %slice3A_115 : vector<1x8xf32>
      %slice3A_117 = vector.extract_strided_slice %dot_general3A_92 {offsets = [40, 40], sizes = [8, 8], strides = [1, 1]} : vector<128x128xf32> to vector<8x8xf32>
      %add3A_118 = arith.addf %add3A_114, %slice3A_117 : vector<8x8xf32>
      %slice3A_119 = vector.extract_strided_slice %broadcast_in_dim3A {offsets = [0, 40], sizes = [1, 8], strides = [1, 1]} : vector<1x128xf32> to vector<1x8xf32>
      %add3A_120 = arith.addf %add3A_116, %slice3A_119 : vector<1x8xf32>
      %slice3A_121 = vector.extract_strided_slice %dot_general3A_92 {offsets = [48, 48], sizes = [8, 8], strides = [1, 1]} : vector<128x128xf32> to vector<8x8xf32>
      %add3A_122 = arith.addf %add3A_118, %slice3A_121 : vector<8x8xf32>
      %slice3A_123 = vector.extract_strided_slice %broadcast_in_dim3A {offsets = [0, 48], sizes = [1, 8], strides = [1, 1]} : vector<1x128xf32> to vector<1x8xf32>
      %add3A_124 = arith.addf %add3A_120, %slice3A_123 : vector<1x8xf32>
      %slice3A_125 = vector.extract_strided_slice %dot_general3A_92 {offsets = [56, 56], sizes = [8, 8], strides = [1, 1]} : vector<128x128xf32> to vector<8x8xf32>
      %add3A_126 = arith.addf %add3A_122, %slice3A_125 : vector<8x8xf32>
      %slice3A_127 = vector.extract_strided_slice %broadcast_in_dim3A {offsets = [0, 56], sizes = [1, 8], strides = [1, 1]} : vector<1x128xf32> to vector<1x8xf32>
      %add3A_128 = arith.addf %add3A_124, %slice3A_127 : vector<1x8xf32>
      %slice3A_129 = vector.extract_strided_slice %dot_general3A_92 {offsets = [64, 64], sizes = [8, 8], strides = [1, 1]} : vector<128x128xf32> to vector<8x8xf32>
      %add3A_130 = arith.addf %add3A_126, %slice3A_129 : vector<8x8xf32>
      %slice3A_131 = vector.extract_strided_slice %broadcast_in_dim3A {offsets = [0, 64], sizes = [1, 8], strides = [1, 1]} : vector<1x128xf32> to vector<1x8xf32>
      %add3A_132 = arith.addf %add3A_128, %slice3A_131 : vector<1x8xf32>
      %slice3A_133 = vector.extract_strided_slice %dot_general3A_92 {offsets = [72, 72], sizes = [8, 8], strides = [1, 1]} : vector<128x128xf32> to vector<8x8xf32>
      %add3A_134 = arith.addf %add3A_130, %slice3A_133 : vector<8x8xf32>
      %slice3A_135 = vector.extract_strided_slice %broadcast_in_dim3A {offsets = [0, 72], sizes = [1, 8], strides = [1, 1]} : vector<1x128xf32> to vector<1x8xf32>
      %add3A_136 = arith.addf %add3A_132, %slice3A_135 : vector<1x8xf32>
      %slice3A_137 = vector.extract_strided_slice %dot_general3A_92 {offsets = [80, 80], sizes = [8, 8], strides = [1, 1]} : vector<128x128xf32> to vector<8x8xf32>
      %add3A_138 = arith.addf %add3A_134, %slice3A_137 : vector<8x8xf32>
      %slice3A_139 = vector.extract_strided_slice %broadcast_in_dim3A {offsets = [0, 80], sizes = [1, 8], strides = [1, 1]} : vector<1x128xf32> to vector<1x8xf32>
      %add3A_140 = arith.addf %add3A_136, %slice3A_139 : vector<1x8xf32>
      %slice3A_141 = vector.extract_strided_slice %dot_general3A_92 {offsets = [88, 88], sizes = [8, 8], strides = [1, 1]} : vector<128x128xf32> to vector<8x8xf32>
      %add3A_142 = arith.addf %add3A_138, %slice3A_141 : vector<8x8xf32>
      %slice3A_143 = vector.extract_strided_slice %broadcast_in_dim3A {offsets = [0, 88], sizes = [1, 8], strides = [1, 1]} : vector<1x128xf32> to vector<1x8xf32>
      %add3A_144 = arith.addf %add3A_140, %slice3A_143 : vector<1x8xf32>
      %slice3A_145 = vector.extract_strided_slice %dot_general3A_92 {offsets = [96, 96], sizes = [8, 8], strides = [1, 1]} : vector<128x128xf32> to vector<8x8xf32>
      %add3A_146 = arith.addf %add3A_142, %slice3A_145 : vector<8x8xf32>
      %slice3A_147 = vector.extract_strided_slice %broadcast_in_dim3A {offsets = [0, 96], sizes = [1, 8], strides = [1, 1]} : vector<1x128xf32> to vector<1x8xf32>
      %add3A_148 = arith.addf %add3A_144, %slice3A_147 : vector<1x8xf32>
      %slice3A_149 = vector.extract_strided_slice %dot_general3A_92 {offsets = [104, 104], sizes = [8, 8], strides = [1, 1]} : vector<128x128xf32> to vector<8x8xf32>
      %add3A_150 = arith.addf %add3A_146, %slice3A_149 : vector<8x8xf32>
      %slice3A_151 = vector.extract_strided_slice %broadcast_in_dim3A {offsets = [0, 104], sizes = [1, 8], strides = [1, 1]} : vector<1x128xf32> to vector<1x8xf32>
      %add3A_152 = arith.addf %add3A_148, %slice3A_151 : vector<1x8xf32>
      %slice3A_153 = vector.extract_strided_slice %dot_general3A_92 {offsets = [112, 112], sizes = [8, 8], strides = [1, 1]} : vector<128x128xf32> to vector<8x8xf32>
      %add3A_154 = arith.addf %add3A_150, %slice3A_153 : vector<8x8xf32>
      %slice3A_155 = vector.extract_strided_slice %broadcast_in_dim3A {offsets = [0, 112], sizes = [1, 8], strides = [1, 1]} : vector<1x128xf32> to vector<1x8xf32>
      %add3A_156 = arith.addf %add3A_152, %slice3A_155 : vector<1x8xf32>
      %slice3A_157 = vector.extract_strided_slice %dot_general3A_92 {offsets = [120, 120], sizes = [8, 8], strides = [1, 1]} : vector<128x128xf32> to vector<8x8xf32>
      %add3A_158 = arith.addf %add3A_154, %slice3A_157 : vector<8x8xf32>
      %slice3A_159 = vector.extract_strided_slice %broadcast_in_dim3A {offsets = [0, 120], sizes = [1, 8], strides = [1, 1]} : vector<1x128xf32> to vector<1x8xf32>
      %add3A_160 = arith.addf %add3A_156, %slice3A_159 : vector<1x8xf32>
      %div3A_161 = vector.broadcast %add3A_160 : vector<1x8xf32> to vector<8x8xf32>
      %div3A_162 = arith.divf %add3A_158, %div3A_161 : vector<8x8xf32>
      %get3A_163 = arith.constant 0 : index
      %get3A_164 = arith.constant 0 : index
      %get3A_165 = vector.load %arg7[%get3A_163, %get3A_164] : memref<2x8xf32, #tpu.memory_space<vmem>>, vector<2x8xf32>
      %dot_general3A_166 = arith.constant dense<0.000000e+00> : vector<2x8xf32>
      %dot_general3A_167 = tpu.matmul %get3A_165, %div3A_162, %dot_general3A_166 {dimension_numbers = #tpu.dot_dimension_numbers<[1], [0], [0], [1], [0, 0, 1, 1], [], []>, precision = #tpu.contract_precision<fp32>, transpose_lhs_hint = false} : vector<2x8xf32>, vector<8x8xf32>, vector<2x8xf32> -> vector<2x8xf32>
      %swap3A = arith.constant 0 : index
      %swap3A_168 = arith.constant 0 : index
      %swap3A_169 = vector.load %arg9[%swap3A, %swap3A_168] : memref<2x8xf32, #tpu.memory_space<vmem>>, vector<2x8xf32>
      tpu.vector_store %arg9[%swap3A, %swap3A_168], %dot_general3A_167 {strides = array<i32>} : memref<2x8xf32, #tpu.memory_space<vmem>>, vector<2x8xf32>,
      %get3A_170 = arith.constant 0 : index
      %get3A_171 = arith.constant 0 : index
      %get3A_172 = vector.load %arg5[%get3A_170, %get3A_171] : memref<8192x16xf32, #tpu.memory_space<vmem>>, vector<8192x16xf32>
      %slice3A_173 = vector.extract_strided_slice %get3A_172 {offsets = [0, 0], sizes = [5120, 16], strides = [1, 1]} : vector<8192x16xf32> to vector<5120x16xf32>
      %slice3A_174 = vector.extract_strided_slice %slice3A_173 {offsets = [0, 0], sizes = [5120, 8], strides = [1, 1]} : vector<5120x16xf32> to vector<5120x8xf32>
      %reduce_max3A = arith.constant dense<0xFF800000> : vector<5120xf32>
      %reduce_max3A_175 = vector.multi_reduction <maximumf>, %slice3A_174, %reduce_max3A [1] : vector<5120x8xf32> to vector<5120xf32>
      %broadcast_in_dim3A_176 = vector.shape_cast %reduce_max3A_175 : vector<5120xf32> to vector<5120x1xf32>
      %sub3A_177 = vector.broadcast %broadcast_in_dim3A_176 : vector<5120x1xf32> to vector<5120x8xf32>
      %sub3A_178 = arith.subf %slice3A_174, %sub3A_177 : vector<5120x8xf32>
      %exp3A_179 = math.exp %sub3A_178 : vector<5120x8xf32>
      %reduce_sum3A_180 = arith.constant dense<0.000000e+00> : vector<5120xf32>
      %reduce_sum3A_181 = vector.multi_reduction <add>, %exp3A_179, %reduce_sum3A_180 [1] : vector<5120x8xf32> to vector<5120xf32>
      %broadcast_in_dim3A_182 = vector.shape_cast %reduce_sum3A_181 : vector<5120xf32> to vector<5120x1xf32>
      %div3A_183 = vector.broadcast %broadcast_in_dim3A_182 : vector<5120x1xf32> to vector<5120x8xf32>
      %div3A_184 = arith.divf %exp3A_179, %div3A_183 : vector<5120x8xf32>
      %dot_general3A_185 = arith.constant dense<0.000000e+00> : vector<5120x2xf32>
      %dot_general3A_186 = tpu.matmul %div3A_184, %dot_general3A_167, %dot_general3A_185 {dimension_numbers = #tpu.dot_dimension_numbers<[1], [1], [0], [0], [0, 0, 1, 0], [], []>, precision = #tpu.contract_precision<fp32>, transpose_lhs_hint = false} : vector<5120x8xf32>, vector<2x8xf32>, vector<5120x2xf32> -> vector<5120x2xf32>
      %mul3A_187 = arith.constant 1.44269502 : f32
      %mul3A_188 = vector.broadcast %mul3A_187 : f32 to vector<5120x2xf32>
      %mul3A_189 = arith.mulf %dot_general3A_186, %mul3A_188 : vector<5120x2xf32>
      %slice3A_190 = vector.extract_strided_slice %mul3A_189 {offsets = [0, 0], sizes = [5120, 1], strides = [1, 1]} : vector<5120x2xf32> to vector<5120x1xf32>
      %slice3A_191 = vector.extract_strided_slice %mul3A_189 {offsets = [0, 1], sizes = [5120, 1], strides = [1, 1]} : vector<5120x2xf32> to vector<5120x1xf32>
      %swap3A_192 = arith.constant 0 : index
      %swap3A_193 = arith.constant 0 : index
      %swap3A_194 = vector.load %arg10[%swap3A_192, %swap3A_193] : memref<5120x1xf32, #tpu.memory_space<vmem>>, vector<5120x1xf32>
      tpu.vector_store %arg10[%swap3A_192, %swap3A_193], %slice3A_190 {strides = array<i32>} : memref<5120x1xf32, #tpu.memory_space<vmem>>, vector<5120x1xf32>,
      %swap3A_195 = arith.constant 0 : index
      %swap3A_196 = arith.constant 0 : index
      %swap3A_197 = vector.load %arg11[%swap3A_195, %swap3A_196] : memref<5120x1xf32, #tpu.memory_space<vmem>>, vector<5120x1xf32>
      tpu.vector_store %arg11[%swap3A_195, %swap3A_196], %slice3A_191 {strides = array<i32>} : memref<5120x1xf32, #tpu.memory_space<vmem>>, vector<5120x1xf32>,
      %iota3A_198 = tpu.iota {dimensions = array<i32: 0>} : vector<5120x1xi32>
      %lt3A_199 = arith.constant 5000 : i32
      %lt3A_200 = vector.broadcast %lt3A_199 : i32 to vector<5120x1xi32>
      %lt3A_201 = arith.cmpi slt, %iota3A_198, %lt3A_200 : vector<5120x1xi32>
      %slice3A_202 = vector.extract_strided_slice %slice3A_173 {offsets = [0, 8], sizes = [5120, 1], strides = [1, 1]} : vector<5120x16xf32> to vector<5120x1xf32>
      %mul3A_203 = arith.constant 1.44269502 : f32
      %mul3A_204 = vector.broadcast %mul3A_203 : f32 to vector<5120x1xf32>
      %mul3A_205 = arith.mulf %slice3A_202, %mul3A_204 : vector<5120x1xf32>
      %jit3A_206 = arith.constant -1.000000e+30 : f32
      %broadcast_in_dim3A_207 = vector.broadcast %jit3A_206 : f32 to vector<5120x1xf32>
      %select_n3A_208 = arith.select %lt3A_201, %mul3A_205, %broadcast_in_dim3A_207 : vector<5120x1xi1>, vector<5120x1xf32>
      %swap3A_209 = arith.constant 0 : index
      %swap3A_210 = arith.constant 0 : index
      %swap3A_211 = vector.load %arg12[%swap3A_209, %swap3A_210] : memref<5120x1xf32, #tpu.memory_space<vmem>>, vector<5120x1xf32>
      tpu.vector_store %arg12[%swap3A_209, %swap3A_210], %select_n3A_208 {strides = array<i32>} : memref<5120x1xf32, #tpu.memory_space<vmem>>, vector<5120x1xf32>,
      %exp3A_212 = math.exp %slice3A_202 : vector<5120x1xf32>
      %jit3A_213 = arith.constant 0.000000e+00 : f32
      %broadcast_in_dim3A_214 = vector.broadcast %jit3A_213 : f32 to vector<5120x1xf32>
      %select_n3A_215 = arith.select %lt3A_201, %exp3A_212, %broadcast_in_dim3A_214 : vector<5120x1xi1>, vector<5120x1xf32>
      %transpose3A = tpu.transpose %slice3A_190, [1, 0] : vector<5120x1xf32> -> vector<1x5120xf32>
      %swap3A_216 = arith.constant 0 : index
      %swap3A_217 = arith.constant 0 : index
      %swap3A_218 = vector.load %arg13[%swap3A_216, %swap3A_217] : memref<1x5120xf32, #tpu.memory_space<vmem>>, vector<1x5120xf32>
      tpu.vector_store %arg13[%swap3A_216, %swap3A_217], %transpose3A {strides = array<i32>} : memref<1x5120xf32, #tpu.memory_space<vmem>>, vector<1x5120xf32>,
      %transpose3A_219 = tpu.transpose %slice3A_191, [1, 0] : vector<5120x1xf32> -> vector<1x5120xf32>
      %swap3A_220 = arith.constant 0 : index
      %swap3A_221 = arith.constant 0 : index
      %swap3A_222 = vector.load %arg14[%swap3A_220, %swap3A_221] : memref<1x5120xf32, #tpu.memory_space<vmem>>, vector<1x5120xf32>
      tpu.vector_store %arg14[%swap3A_220, %swap3A_221], %transpose3A_219 {strides = array<i32>} : memref<1x5120xf32, #tpu.memory_space<vmem>>, vector<1x5120xf32>,
      %transpose3A_223 = tpu.transpose %select_n3A_208, [1, 0] : vector<5120x1xf32> -> vector<1x5120xf32>
      %swap3A_224 = arith.constant 0 : index
      %swap3A_225 = arith.constant 0 : index
      %swap3A_226 = vector.load %arg15[%swap3A_224, %swap3A_225] : memref<1x5120xf32, #tpu.memory_space<vmem>>, vector<1x5120xf32>
      tpu.vector_store %arg15[%swap3A_224, %swap3A_225], %transpose3A_223 {strides = array<i32>} : memref<1x5120xf32, #tpu.memory_space<vmem>>, vector<1x5120xf32>,
      %mul3A_227 = arith.mulf %select_n3A_215, %select_n3A_215 : vector<5120x1xf32>
      %reduce_sum3A_228 = vector.shape_cast %mul3A_227 : vector<5120x1xf32> to vector<1x5120x1xf32>
      %reduce_sum3A_229 = arith.constant dense<0.000000e+00> : vector<1xf32>
      %reduce_sum3A_230 = vector.multi_reduction <add>, %reduce_sum3A_228, %reduce_sum3A_229 [1, 2] : vector<1x5120x1xf32> to vector<1xf32>
      %reduce_sum3A_231 = vector.shape_cast %reduce_sum3A_230 : vector<1xf32> to vector<1x1x1xf32>
      %reduce_sum3A_232 = vector.extract %reduce_sum3A_231[0, 0, 0] : f32 from vector<1x1x1xf32>
      %swap3A_233 = arith.constant 1 : index
      %swap3A_234 = memref.load %arg16[%swap3A_233] : memref<3xf32, #tpu.memory_space<smem>>
      memref.store %reduce_sum3A_232, %arg16[%swap3A_233] : memref<3xf32, #tpu.memory_space<smem>>
      %swap3A_235 = arith.constant 0.000000e+00 : f32
      %swap3A_236 = arith.constant 0 : index
      %swap3A_237 = memref.load %arg16[%swap3A_236] : memref<3xf32, #tpu.memory_space<smem>>
      memref.store %swap3A_235, %arg16[%swap3A_236] : memref<3xf32, #tpu.memory_space<smem>>
      %swap3A_238 = arith.constant 0.000000e+00 : f32
      %swap3A_239 = arith.constant 2 : index
      %swap3A_240 = memref.load %arg16[%swap3A_239] : memref<3xf32, #tpu.memory_space<smem>>
      memref.store %swap3A_238, %arg16[%swap3A_239] : memref<3xf32, #tpu.memory_space<smem>>
    } else {
    }
    %ge3A = arith.constant 1 : i32
    %ge3A_2 = arith.cmpi sge, %arg0, %ge3A : i32
    %lt3A = arith.constant 5 : i32
    %lt3A_3 = arith.cmpi slt, %arg0, %lt3A : i32
    %and3A = arith.andi %ge3A_2, %lt3A_3 : i1
    %convert_element_type3A_4 = arith.extui %and3A : i1 to i32
    %cond3A_5 = arith.constant 0 : i32
    %cond3A_6 = arith.cmpi ne, %convert_element_type3A_4, %cond3A_5 : i32
    scf.if %cond3A_6 {
      %get3A = arith.constant 0 : index
      %get3A_17 = arith.constant 0 : index
      %get3A_18 = vector.load %arg3[%get3A, %get3A_17] : memref<4096x16xf32, #tpu.memory_space<vmem>>, vector<4096x16xf32>
      %get3A_19 = arith.constant 0 : index
      %get3A_20 = arith.constant 0 : index
      %get3A_21 = vector.load %arg4[%get3A_19, %get3A_20] : memref<4096x16xf32, #tpu.memory_space<vmem>>, vector<4096x16xf32>
      %get3A_22 = arith.constant 0 : index
      %get3A_23 = arith.constant 0 : index
      %get3A_24 = vector.load %arg9[%get3A_22, %get3A_23] : memref<2x8xf32, #tpu.memory_space<vmem>>, vector<2x8xf32>
      %slice3A = vector.extract_strided_slice %get3A_24 {offsets = [0, 0], sizes = [1, 8], strides = [1, 1]} : vector<2x8xf32> to vector<1x8xf32>
      %slice3A_25 = vector.extract_strided_slice %get3A_24 {offsets = [1, 0], sizes = [1, 8], strides = [1, 1]} : vector<2x8xf32> to vector<1x8xf32>
      %slice3A_26 = vector.extract_strided_slice %get3A_18 {offsets = [0, 0], sizes = [4096, 8], strides = [1, 1]} : vector<4096x16xf32> to vector<4096x8xf32>
      %reduce_max3A = arith.constant dense<0xFF800000> : vector<4096xf32>
      %reduce_max3A_27 = vector.multi_reduction <maximumf>, %slice3A_26, %reduce_max3A [1] : vector<4096x8xf32> to vector<4096xf32>
      %broadcast_in_dim3A = vector.shape_cast %reduce_max3A_27 : vector<4096xf32> to vector<4096x1xf32>
      %sub3A = vector.broadcast %broadcast_in_dim3A : vector<4096x1xf32> to vector<4096x8xf32>
      %sub3A_28 = arith.subf %slice3A_26, %sub3A : vector<4096x8xf32>
      %exp3A = math.exp %sub3A_28 : vector<4096x8xf32>
      %reduce_sum3A = arith.constant dense<0.000000e+00> : vector<4096xf32>
      %reduce_sum3A_29 = vector.multi_reduction <add>, %exp3A, %reduce_sum3A [1] : vector<4096x8xf32> to vector<4096xf32>
      %broadcast_in_dim3A_30 = vector.shape_cast %reduce_sum3A_29 : vector<4096xf32> to vector<4096x1xf32>
      %div3A = vector.broadcast %broadcast_in_dim3A_30 : vector<4096x1xf32> to vector<4096x8xf32>
      %div3A_31 = arith.divf %exp3A, %div3A : vector<4096x8xf32>
      %slice3A_32 = vector.extract_strided_slice %get3A_21 {offsets = [0, 0], sizes = [4096, 8], strides = [1, 1]} : vector<4096x16xf32> to vector<4096x8xf32>
      %reduce_max3A_33 = arith.constant dense<0xFF800000> : vector<4096xf32>
      %reduce_max3A_34 = vector.multi_reduction <maximumf>, %slice3A_32, %reduce_max3A_33 [1] : vector<4096x8xf32> to vector<4096xf32>
      %broadcast_in_dim3A_35 = vector.shape_cast %reduce_max3A_34 : vector<4096xf32> to vector<4096x1xf32>
      %sub3A_36 = vector.broadcast %broadcast_in_dim3A_35 : vector<4096x1xf32> to vector<4096x8xf32>
      %sub3A_37 = arith.subf %slice3A_32, %sub3A_36 : vector<4096x8xf32>
      %exp3A_38 = math.exp %sub3A_37 : vector<4096x8xf32>
      %reduce_sum3A_39 = arith.constant dense<0.000000e+00> : vector<4096xf32>
      %reduce_sum3A_40 = vector.multi_reduction <add>, %exp3A_38, %reduce_sum3A_39 [1] : vector<4096x8xf32> to vector<4096xf32>
      %broadcast_in_dim3A_41 = vector.shape_cast %reduce_sum3A_40 : vector<4096xf32> to vector<4096x1xf32>
      %div3A_42 = vector.broadcast %broadcast_in_dim3A_41 : vector<4096x1xf32> to vector<4096x8xf32>
      %div3A_43 = arith.divf %exp3A_38, %div3A_42 : vector<4096x8xf32>
      %mul3A = vector.broadcast %slice3A : vector<1x8xf32> to vector<4096x8xf32>
      %mul3A_44 = arith.mulf %div3A_31, %mul3A : vector<4096x8xf32>
      %reduce_sum3A_45 = arith.constant dense<0.000000e+00> : vector<4096xf32>
      %reduce_sum3A_46 = vector.multi_reduction <add>, %mul3A_44, %reduce_sum3A_45 [1] : vector<4096x8xf32> to vector<4096xf32>
      %broadcast_in_dim3A_47 = vector.shape_cast %reduce_sum3A_46 : vector<4096xf32> to vector<4096x1xf32>
      %mul3A_48 = vector.broadcast %slice3A : vector<1x8xf32> to vector<4096x8xf32>
      %mul3A_49 = arith.mulf %div3A_43, %mul3A_48 : vector<4096x8xf32>
      %reduce_sum3A_50 = arith.constant dense<0.000000e+00> : vector<4096xf32>
      %reduce_sum3A_51 = vector.multi_reduction <add>, %mul3A_49, %reduce_sum3A_50 [1] : vector<4096x8xf32> to vector<4096xf32>
      %broadcast_in_dim3A_52 = vector.shape_cast %reduce_sum3A_51 : vector<4096xf32> to vector<4096x1xf32>
      %sub3A_53 = arith.subf %broadcast_in_dim3A_47, %broadcast_in_dim3A_52 : vector<4096x1xf32>
      %add3A = arith.constant 9.99999997E-7 : f32
      %add3A_54 = vector.broadcast %add3A : f32 to vector<4096x1xf32>
      %add3A_55 = arith.addf %sub3A_53, %add3A_54 : vector<4096x1xf32>
      %mul3A_56 = vector.broadcast %slice3A_25 : vector<1x8xf32> to vector<4096x8xf32>
      %mul3A_57 = arith.mulf %div3A_31, %mul3A_56 : vector<4096x8xf32>
      %reduce_sum3A_58 = arith.constant dense<0.000000e+00> : vector<4096xf32>
      %reduce_sum3A_59 = vector.multi_reduction <add>, %mul3A_57, %reduce_sum3A_58 [1] : vector<4096x8xf32> to vector<4096xf32>
      %broadcast_in_dim3A_60 = vector.shape_cast %reduce_sum3A_59 : vector<4096xf32> to vector<4096x1xf32>
      %mul3A_61 = vector.broadcast %slice3A_25 : vector<1x8xf32> to vector<4096x8xf32>
      %mul3A_62 = arith.mulf %div3A_43, %mul3A_61 : vector<4096x8xf32>
      %reduce_sum3A_63 = arith.constant dense<0.000000e+00> : vector<4096xf32>
      %reduce_sum3A_64 = vector.multi_reduction <add>, %mul3A_62, %reduce_sum3A_63 [1] : vector<4096x8xf32> to vector<4096xf32>
      %broadcast_in_dim3A_65 = vector.shape_cast %reduce_sum3A_64 : vector<4096xf32> to vector<4096x1xf32>
      %sub3A_66 = arith.subf %broadcast_in_dim3A_60, %broadcast_in_dim3A_65 : vector<4096x1xf32>
      %add3A_67 = arith.constant 9.99999997E-7 : f32
      %add3A_68 = vector.broadcast %add3A_67 : f32 to vector<4096x1xf32>
      %add3A_69 = arith.addf %sub3A_66, %add3A_68 : vector<4096x1xf32>
      %mul3A_70 = arith.mulf %add3A_55, %add3A_55 : vector<4096x1xf32>
      %mul3A_71 = arith.mulf %add3A_69, %add3A_69 : vector<4096x1xf32>
      %add3A_72 = arith.addf %mul3A_70, %mul3A_71 : vector<4096x1xf32>
      %max3A = arith.constant 1.000000e-30 : f32
      %max3A_73 = vector.broadcast %max3A : f32 to vector<4096x1xf32>
      %max3A_74 = arith.maximumf %add3A_72, %max3A_73 : vector<4096x1xf32>
      %rsqrt3A = math.rsqrt %max3A_74 : vector<4096x1xf32>
      %mul3A_75 = arith.mulf %max3A_74, %rsqrt3A : vector<4096x1xf32>
      %slice3A_76 = vector.extract_strided_slice %get3A_18 {offsets = [0, 8], sizes = [4096, 1], strides = [1, 1]} : vector<4096x16xf32> to vector<4096x1xf32>
      %slice3A_77 = vector.extract_strided_slice %get3A_21 {offsets = [0, 8], sizes = [4096, 1], strides = [1, 1]} : vector<4096x16xf32> to vector<4096x1xf32>
      %add3A_78 = arith.addf %slice3A_76, %slice3A_77 : vector<4096x1xf32>
      %sub3A_79 = arith.subf %add3A_78, %mul3A_75 : vector<4096x1xf32>
      %get3A_80 = arith.constant 2 : index
      %get3A_81 = memref.load %arg16[%get3A_80] : memref<3xf32, #tpu.memory_space<smem>>
      %get3A_82 = arith.constant 0 : index
      %get3A_83 = arith.constant 0 : index
      %get3A_84 = vector.load %arg6[%get3A_82, %get3A_83] : memref<4096x1xf32, #tpu.memory_space<vmem>>, vector<4096x1xf32>
      %mul3A_85 = arith.mulf %sub3A_79, %get3A_84 : vector<4096x1xf32>
      %reduce_sum3A_86 = vector.shape_cast %mul3A_85 : vector<4096x1xf32> to vector<1x4096x1xf32>
      %reduce_sum3A_87 = arith.constant dense<0.000000e+00> : vector<1xf32>
      %reduce_sum3A_88 = vector.multi_reduction <add>, %reduce_sum3A_86, %reduce_sum3A_87 [1, 2] : vector<1x4096x1xf32> to vector<1xf32>
      %reduce_sum3A_89 = vector.shape_cast %reduce_sum3A_88 : vector<1xf32> to vector<1x1x1xf32>
      %reduce_sum3A_90 = vector.extract %reduce_sum3A_89[0, 0, 0] : f32 from vector<1x1x1xf32>
      %add3A_91 = arith.addf %get3A_81, %reduce_sum3A_90 : f32
      %swap3A = arith.constant 2 : index
      %swap3A_92 = memref.load %arg16[%swap3A] : memref<3xf32, #tpu.memory_space<smem>>
      memref.store %add3A_91, %arg16[%swap3A] : memref<3xf32, #tpu.memory_space<smem>>
    } else {
    }
    %ge3A_7 = arith.constant 5 : i32
    %ge3A_8 = arith.cmpi sge, %arg0, %ge3A_7 : i32
    %convert_element_type3A_9 = arith.extui %ge3A_8 : i1 to i32
    %cond3A_10 = arith.constant 0 : i32
    %cond3A_11 = arith.cmpi ne, %convert_element_type3A_9, %cond3A_10 : i32
    scf.if %cond3A_11 {
      %sub3A = arith.constant 5 : i32
      %sub3A_17 = arith.subi %arg0, %sub3A : i32
      %ge3A_18 = arith.constant 10 : i32
      %ge3A_19 = arith.cmpi sge, %sub3A_17, %ge3A_18 : i32
      %convert_element_type3A_20 = arith.extui %ge3A_19 : i1 to i32
      %add3A = arith.constant 0 : i32
      %add3A_21 = arith.addi %add3A, %convert_element_type3A_20 : i32
      %ge3A_22 = arith.constant 19 : i32
      %ge3A_23 = arith.cmpi sge, %sub3A_17, %ge3A_22 : i32
      %convert_element_type3A_24 = arith.extui %ge3A_23 : i1 to i32
      %add3A_25 = arith.addi %add3A_21, %convert_element_type3A_24 : i32
      %ge3A_26 = arith.constant 27 : i32
      %ge3A_27 = arith.cmpi sge, %sub3A_17, %ge3A_26 : i32
      %convert_element_type3A_28 = arith.extui %ge3A_27 : i1 to i32
      %add3A_29 = arith.addi %add3A_25, %convert_element_type3A_28 : i32
      %ge3A_30 = arith.constant 34 : i32
      %ge3A_31 = arith.cmpi sge, %sub3A_17, %ge3A_30 : i32
      %convert_element_type3A_32 = arith.extui %ge3A_31 : i1 to i32
      %add3A_33 = arith.addi %add3A_29, %convert_element_type3A_32 : i32
      %ge3A_34 = arith.constant 40 : i32
      %ge3A_35 = arith.cmpi sge, %sub3A_17, %ge3A_34 : i32
      %convert_element_type3A_36 = arith.extui %ge3A_35 : i1 to i32
      %add3A_37 = arith.addi %add3A_33, %convert_element_type3A_36 : i32
      %ge3A_38 = arith.constant 45 : i32
      %ge3A_39 = arith.cmpi sge, %sub3A_17, %ge3A_38 : i32
      %convert_element_type3A_40 = arith.extui %ge3A_39 : i1 to i32
      %add3A_41 = arith.addi %add3A_37, %convert_element_type3A_40 : i32
      %ge3A_42 = arith.constant 49 : i32
      %ge3A_43 = arith.cmpi sge, %sub3A_17, %ge3A_42 : i32
      %convert_element_type3A_44 = arith.extui %ge3A_43 : i1 to i32
      %add3A_45 = arith.addi %add3A_41, %convert_element_type3A_44 : i32
      %ge3A_46 = arith.constant 52 : i32
      %ge3A_47 = arith.cmpi sge, %sub3A_17, %ge3A_46 : i32
      %convert_element_type3A_48 = arith.extui %ge3A_47 : i1 to i32
      %add3A_49 = arith.addi %add3A_45, %convert_element_type3A_48 : i32
      %ge3A_50 = arith.constant 54 : i32
      %ge3A_51 = arith.cmpi sge, %sub3A_17, %ge3A_50 : i32
      %convert_element_type3A_52 = arith.extui %ge3A_51 : i1 to i32
      %add3A_53 = arith.addi %add3A_49, %convert_element_type3A_52 : i32
      %eq3A_54 = arith.constant 1 : i32
      %eq3A_55 = arith.cmpi eq, %add3A_53, %eq3A_54 : i32
      %jit3A = arith.constant 10 : i32
      %jit3A_56 = arith.constant 0 : i32
      %select_n3A = arith.select %eq3A_55, %jit3A, %jit3A_56 : i32
      %eq3A_57 = arith.constant 2 : i32
      %eq3A_58 = arith.cmpi eq, %add3A_53, %eq3A_57 : i32
      %jit3A_59 = arith.constant 19 : i32
      %select_n3A_60 = arith.select %eq3A_58, %jit3A_59, %select_n3A : i32
      %eq3A_61 = arith.constant 3 : i32
      %eq3A_62 = arith.cmpi eq, %add3A_53, %eq3A_61 : i32
      %jit3A_63 = arith.constant 27 : i32
      %select_n3A_64 = arith.select %eq3A_62, %jit3A_63, %select_n3A_60 : i32
      %eq3A_65 = arith.constant 4 : i32
      %eq3A_66 = arith.cmpi eq, %add3A_53, %eq3A_65 : i32
      %jit3A_67 = arith.constant 34 : i32
      %select_n3A_68 = arith.select %eq3A_66, %jit3A_67, %select_n3A_64 : i32
      %eq3A_69 = arith.constant 5 : i32
      %eq3A_70 = arith.cmpi eq, %add3A_53, %eq3A_69 : i32
      %jit3A_71 = arith.constant 40 : i32
      %select_n3A_72 = arith.select %eq3A_70, %jit3A_71, %select_n3A_68 : i32
      %eq3A_73 = arith.constant 6 : i32
      %eq3A_74 = arith.cmpi eq, %add3A_53, %eq3A_73 : i32
      %jit3A_75 = arith.constant 45 : i32
      %select_n3A_76 = arith.select %eq3A_74, %jit3A_75, %select_n3A_72 : i32
      %eq3A_77 = arith.constant 7 : i32
      %eq3A_78 = arith.cmpi eq, %add3A_53, %eq3A_77 : i32
      %jit3A_79 = arith.constant 49 : i32
      %select_n3A_80 = arith.select %eq3A_78, %jit3A_79, %select_n3A_76 : i32
      %eq3A_81 = arith.constant 8 : i32
      %eq3A_82 = arith.cmpi eq, %add3A_53, %eq3A_81 : i32
      %jit3A_83 = arith.constant 52 : i32
      %select_n3A_84 = arith.select %eq3A_82, %jit3A_83, %select_n3A_80 : i32
      %eq3A_85 = arith.constant 9 : i32
      %eq3A_86 = arith.cmpi eq, %add3A_53, %eq3A_85 : i32
      %jit3A_87 = arith.constant 54 : i32
      %select_n3A_88 = arith.select %eq3A_86, %jit3A_87, %select_n3A_84 : i32
      %sub3A_89 = arith.subi %sub3A_17, %select_n3A_88 : i32
      %add3A_90 = arith.addi %add3A_53, %sub3A_89 : i32
      %mul3A = arith.constant 512 : i32
      %mul3A_91 = arith.muli %add3A_53, %mul3A : i32
      %get3A = arith.index_cast %mul3A_91 : i32 to index
      %get3A_92 = arith.constant 0 : index
      %get3A_93 = vector.load %arg10[%get3A, %get3A_92] : memref<5120x1xf32, #tpu.memory_space<vmem>>, vector<512x1xf32>
      %mul3A_94 = arith.constant 512 : i32
      %mul3A_95 = arith.muli %add3A_53, %mul3A_94 : i32
      %get3A_96 = arith.index_cast %mul3A_95 : i32 to index
      %get3A_97 = arith.constant 0 : index
      %get3A_98 = vector.load %arg11[%get3A_96, %get3A_97] : memref<5120x1xf32, #tpu.memory_space<vmem>>, vector<512x1xf32>
      %mul3A_99 = arith.constant 512 : i32
      %mul3A_100 = arith.muli %add3A_53, %mul3A_99 : i32
      %get3A_101 = arith.index_cast %mul3A_100 : i32 to index
      %get3A_102 = arith.constant 0 : index
      %get3A_103 = vector.load %arg12[%get3A_101, %get3A_102] : memref<5120x1xf32, #tpu.memory_space<vmem>>, vector<512x1xf32>
      %mul3A_104 = arith.constant 512 : i32
      %mul3A_105 = arith.muli %add3A_90, %mul3A_104 : i32
      %get3A_106 = arith.constant 0 : index
      %get3A_107 = arith.index_cast %mul3A_105 : i32 to index
      %get3A_108 = vector.load %arg13[%get3A_106, %get3A_107] : memref<1x5120xf32, #tpu.memory_space<vmem>>, vector<1x512xf32>
      %mul3A_109 = arith.constant 512 : i32
      %mul3A_110 = arith.muli %add3A_90, %mul3A_109 : i32
      %get3A_111 = arith.constant 0 : index
      %get3A_112 = arith.index_cast %mul3A_110 : i32 to index
      %get3A_113 = vector.load %arg14[%get3A_111, %get3A_112] : memref<1x5120xf32, #tpu.memory_space<vmem>>, vector<1x512xf32>
      %mul3A_114 = arith.constant 512 : i32
      %mul3A_115 = arith.muli %add3A_90, %mul3A_114 : i32
      %get3A_116 = arith.constant 0 : index
      %get3A_117 = arith.index_cast %mul3A_115 : i32 to index
      %get3A_118 = vector.load %arg15[%get3A_116, %get3A_117] : memref<1x5120xf32, #tpu.memory_space<vmem>>, vector<1x512xf32>
      %sub3A_119 = vector.broadcast %get3A_93 : vector<512x1xf32> to vector<512x512xf32>
      %sub3A_120 = vector.broadcast %get3A_108 : vector<1x512xf32> to vector<512x512xf32>
      %sub3A_121 = arith.subf %sub3A_119, %sub3A_120 : vector<512x512xf32>
      %sub3A_122 = vector.broadcast %get3A_98 : vector<512x1xf32> to vector<512x512xf32>
      %sub3A_123 = vector.broadcast %get3A_113 : vector<1x512xf32> to vector<512x512xf32>
      %sub3A_124 = arith.subf %sub3A_122, %sub3A_123 : vector<512x512xf32>
      %mul3A_125 = arith.mulf %sub3A_121, %sub3A_121 : vector<512x512xf32>
      %mul3A_126 = arith.mulf %sub3A_124, %sub3A_124 : vector<512x512xf32>
      %add3A_127 = arith.addf %mul3A_125, %mul3A_126 : vector<512x512xf32>
      %add3A_128 = arith.constant 2.08136893E-12 : f32
      %add3A_129 = vector.broadcast %add3A_128 : f32 to vector<512x512xf32>
      %add3A_130 = arith.addf %add3A_127, %add3A_129 : vector<512x512xf32>
      %rsqrt3A = math.rsqrt %add3A_130 : vector<512x512xf32>
      %mul3A_131 = arith.mulf %add3A_130, %rsqrt3A : vector<512x512xf32>
      %add3A_132 = vector.broadcast %get3A_103 : vector<512x1xf32> to vector<512x512xf32>
      %add3A_133 = vector.broadcast %get3A_118 : vector<1x512xf32> to vector<512x512xf32>
      %add3A_134 = arith.addf %add3A_132, %add3A_133 : vector<512x512xf32>
      %sub3A_135 = arith.subf %add3A_134, %mul3A_131 : vector<512x512xf32>
      %exp23A = math.exp2 %sub3A_135 : vector<512x512xf32>
      %reduce_sum3A = vector.shape_cast %exp23A : vector<512x512xf32> to vector<1x512x512xf32>
      %reduce_sum3A_136 = arith.constant dense<0.000000e+00> : vector<1xf32>
      %reduce_sum3A_137 = vector.multi_reduction <add>, %reduce_sum3A, %reduce_sum3A_136 [1, 2] : vector<1x512x512xf32> to vector<1xf32>
      %reduce_sum3A_138 = vector.shape_cast %reduce_sum3A_137 : vector<1xf32> to vector<1x1x1xf32>
      %reduce_sum3A_139 = vector.extract %reduce_sum3A_138[0, 0, 0] : f32 from vector<1x1x1xf32>
      %get3A_140 = arith.constant 0 : index
      %get3A_141 = memref.load %arg16[%get3A_140] : memref<3xf32, #tpu.memory_space<smem>>
      %gt3A = arith.cmpi sgt, %add3A_90, %add3A_53 : i32
      %jit3A_142 = arith.constant 2.000000e+00 : f32
      %jit3A_143 = arith.constant 1.000000e+00 : f32
      %select_n3A_144 = arith.select %gt3A, %jit3A_142, %jit3A_143 : f32
      %mul3A_145 = arith.mulf %select_n3A_144, %reduce_sum3A_139 : f32
      %add3A_146 = arith.addf %get3A_141, %mul3A_145 : f32
      %swap3A = arith.constant 0 : index
      %swap3A_147 = memref.load %arg16[%swap3A] : memref<3xf32, #tpu.memory_space<smem>>
      memref.store %add3A_146, %arg16[%swap3A] : memref<3xf32, #tpu.memory_space<smem>>
    } else {
    }
    %eq3A_12 = arith.constant 59 : i32
    %eq3A_13 = arith.cmpi eq, %arg0, %eq3A_12 : i32
    %convert_element_type3A_14 = arith.extui %eq3A_13 : i1 to i32
    %cond3A_15 = arith.constant 0 : i32
    %cond3A_16 = arith.cmpi ne, %convert_element_type3A_14, %cond3A_15 : i32
    scf.if %cond3A_16 {
      %sqrt3A = arith.constant 9.99999996E-13 : f32
      %sqrt3A_17 = math.sqrt %sqrt3A : f32
      %neg3A = arith.constant 0.000000e+00 : f32
      %neg3A_18 = arith.subf %neg3A, %sqrt3A_17 : f32
      %exp3A = math.exp %neg3A_18 : f32
      %get3A = arith.constant 0 : index
      %get3A_19 = memref.load %arg16[%get3A] : memref<3xf32, #tpu.memory_space<smem>>
      %get3A_20 = arith.constant 1 : index
      %get3A_21 = memref.load %arg16[%get3A_20] : memref<3xf32, #tpu.memory_space<smem>>
      %mul3A = arith.mulf %exp3A, %get3A_21 : f32
      %sub3A = arith.subf %get3A_19, %mul3A : f32
      %mul3A_22 = arith.constant 5.000000e-01 : f32
      %mul3A_23 = arith.mulf %mul3A_22, %sub3A : f32
      %get3A_24 = arith.constant 2 : index
      %get3A_25 = memref.load %arg16[%get3A_24] : memref<3xf32, #tpu.memory_space<smem>>
      %sub3A_26 = arith.subf %get3A_25, %mul3A_23 : f32
      %broadcast_in_dim3A = vector.broadcast %sub3A_26 : f32 to vector<1x1xf32>
      %swap3A = arith.constant 0 : index
      %swap3A_27 = arith.constant 0 : index
      %swap3A_28 = vector.load %arg8[%swap3A, %swap3A_27] : memref<1x1xf32, #tpu.memory_space<vmem>>, vector<1x1xf32>
      tpu.vector_store %arg8[%swap3A, %swap3A_27], %broadcast_in_dim3A {strides = array<i32>} : memref<1x1xf32, #tpu.memory_space<vmem>>, vector<1x1xf32>,
    } else {
    }
    return
  }
  func.func @transform_0(%arg0: i32) -> (i32, i32) {
    %c0_i32 = arith.constant 0 : i32
    %c0_i32_0 = arith.constant 0 : i32
    %c0_i32_1 = arith.constant 0 : i32
    return %c0_i32, %c0_i32_0 : i32, i32
  }
  func.func @transform_1(%arg0: i32) -> (i32, i32) {
    %c0_i32 = arith.constant 0 : i32
    %c0_i32_0 = arith.constant 0 : i32
    %c0_i32_1 = arith.constant 0 : i32
    return %c0_i32, %c0_i32_0 : i32, i32
  }
  func.func @transform_2(%arg0: i32) -> (i32, i32) {
    %sub3A = arith.constant 1 : i32
    %sub3A_0 = arith.subi %arg0, %sub3A : i32
    %jit3A = arith.constant 0 : i32
    %jit3A_1 = arith.constant 3 : i32
    %max3A = arith.maxsi %jit3A, %sub3A_0 : i32
    %min3A = arith.minsi %jit3A_1, %max3A : i32
    %c0_i32 = arith.constant 0 : i32
    %c0_i32_2 = arith.constant 0 : i32
    return %min3A, %c0_i32 : i32, i32
  }
  func.func @transform_3(%arg0: i32) -> (i32, i32) {
    %sub3A = arith.constant 1 : i32
    %sub3A_0 = arith.subi %arg0, %sub3A : i32
    %jit3A = arith.constant 0 : i32
    %jit3A_1 = arith.constant 3 : i32
    %max3A = arith.maxsi %jit3A, %sub3A_0 : i32
    %min3A = arith.minsi %jit3A_1, %max3A : i32
    %add3A = arith.constant 4 : i32
    %add3A_2 = arith.addi %add3A, %min3A : i32
    %c0_i32 = arith.constant 0 : i32
    %c0_i32_3 = arith.constant 0 : i32
    return %add3A_2, %c0_i32 : i32, i32
  }
  func.func @transform_4(%arg0: i32) -> (i32, i32) {
    %c4_i32 = arith.constant 4 : i32
    %c0_i32 = arith.constant 0 : i32
    %c0_i32_0 = arith.constant 0 : i32
    return %c4_i32, %c0_i32 : i32, i32
  }
  func.func @transform_5(%arg0: i32) -> (i32, i32) {
    %sub3A = arith.constant 1 : i32
    %sub3A_0 = arith.subi %arg0, %sub3A : i32
    %jit3A = arith.constant 0 : i32
    %jit3A_1 = arith.constant 3 : i32
    %max3A = arith.maxsi %jit3A, %sub3A_0 : i32
    %min3A = arith.minsi %jit3A_1, %max3A : i32
    %c0_i32 = arith.constant 0 : i32
    %c0_i32_2 = arith.constant 0 : i32
    return %min3A, %c0_i32 : i32, i32
  }
  func.func @transform_6(%arg0: i32) -> (i32, i32) {
    %c0_i32 = arith.constant 0 : i32
    %c0_i32_0 = arith.constant 0 : i32
    %c0_i32_1 = arith.constant 0 : i32
    return %c0_i32, %c0_i32_0 : i32, i32
  }
  func.func @transform_7(%arg0: i32) -> (i32, i32) {
    %c0_i32 = arith.constant 0 : i32
    %c0_i32_0 = arith.constant 0 : i32
    %c0_i32_1 = arith.constant 0 : i32
    return %c0_i32, %c0_i32_0 : i32, i32
  }
}

</mosaic_0001>

<sc_bundles>
// kernel: kernel.4.cloned.1.call-start
scs
__scs_entry_jumppad:
0x0: {  	(pc) =	sbr.rel $0x88, $3  }
0x1: {  	(tag) =	ssettag $0x0;
	lr =	simm.s32 $0x1  }
0x2: {  	[smem:$0x3F99] =	sst lr;
	_ =	strace $0xD0000000  }
0x3: {  	_ = 	snop  }
0x4: {  	_ = 	snop  }
0x5: {  	_ = 	snop  }
0x6: {  	_ = 	snop  }
0x7: {  	_ = 	snop  }
__scs_overlays_trampoline_lowered:
0x8: {  	[smem:$0x3FA8] =	sst s0  }
0x9: {  	[smem:$0x3FA9] =	sst s1  }
0xa: {  	[smem:$0x3FAA] =	sst s2  }
0xb: {  	[smem:$0x3FAB] =	sst s3  }
0xc: {  	[smem:$0x3FAC] =	sst s4  }
0xd: {  	[smem:$0x3FAD] =	sst s5  }
0xe: {  	[smem:$0x3FAE] =	sst s6  }
0xf: {  	[smem:$0x3FAF] =	sst s7  }
0x10: {  	[smem:$0x3FB0] =	sst s8  }
0x11: {  	[smem:$0x3FB1] =	sst s9;
	s0 =	simm.s32 @!p0 $0x0  }
0x12: {  	s1 =	sld [smem:$0x3F97];
	s0 =	simm.s32 @p0 $0x1  }
0x13: {  	[smem:$0x3FB2] =	sst s0;
	s0 =	simm.s32 @!p1 $0x0  }
0x14: {  	s2 =	sld [smem:$0x3F96];
	s0 =	simm.s32 @p1 $0x1  }
0x15: {  	[smem:$0x3FB3] =	sst s0;
	s0 =	simm.s32 @!p2 $0x0  }
0x16: {  	s3 =	sld [smem:$0x3FDB];
	s0 =	simm.s32 @p2 $0x1  }
0x17: {  	s4 =	simm.s32 $0x1BF5;
	[smem:$0x3FB5] =	sst s0  }
0x18: {  	s0 =	sld [smem:$0x3F98];
	_ =	swait.ge [sflag:s4], $0x0  }
0x19: {  	s7 =	sld [smem:$0x3F99]  }
0x1a: {  	s8 =	sadd.s32 $0xFFFFE003, lr  }
0x1b: {  	s9 =	sadd.s32 $0xFFFFFEF7, lr;
	s5 =	simm.s32 $0xFFFFFFFF;
	p2 =	slt.u32 s8, $0xFFFFF086  }
0x1c: {  	p1 =	slt.u32 s9, $0xF7A;
	s5 =	simm.s32 @!p2 $0x0  }
0x1d: {  	s5 =	simm.s32 @p1 $0x1;
	p0 =	seq.s32 s7, s2  }
0x1e: {  	s7 =	smul.u32 @!p0 $0xF7A, s2;
	p2 =	seq.s32 @!p0 s5, $0x0  }
0x1f: {  	s9 =	smul.u32 $0xF7A, s1;
	s8 =	simm.s32 @!p0 $0x1BF5;
	p2 =	por !p2, p0  }
0x20: {  	[sflag:s8] =	ssyncset.s32 @!p0 $0xFFFFF086;
	s6 =	sadd.s32 @!p0 s3, s7;
	s7 =	simm.s32 @!p0 $0x108  }
0x21: {  	s3 =	sadd.s32 s3, s9;
	s6 =	sadd.s32 @!p0 $0x88, s6;
	s7 =	simm.s32 @p2 $0x1082  }
0x22: {  	[simem:s7], [sflag:s8] =	dma.local @!p0 [hbm:s6], $0xF7A  }
0x23: {  	s9 =	sor.u32 $0xD0000000, s2;
	s6 =	simm.s32 $0x108;
	_ =	swait.ge @!p0 [sflag:s8], $0x0  }
0x24: {  	s3 =	sadd.s32 $0x88, s3;
	s6 =	simm.s32 @!p1 $0x1082;
	[sflag:s4] =	ssyncset.s32 $0xFFFFF086  }
0x25: {  	[simem:s6], [sflag:s4] =	dma.local [hbm:s3], $0xF7A  }
0x26: {  	[smem:$0x3F99] =	sst s1;
	(tag) =	ssettag s2;
	_ =	strace s9  }
0x27: {  	s1 =	sld [smem:$0x3FA9]  }
0x28: {  	s2 =	sld [smem:$0x3FAA]  }
0x29: {  	s4 =	sld [smem:$0x3FAC]  }
0x2a: {  	p0 =	seq.s32 s5, $0x0;
	s5 =	sld [smem:$0x3FAD]  }
0x2b: {  	s6 =	sld [smem:$0x3FAE]  }
0x2c: {  	s7 =	sld [smem:$0x3FAF]  }
0x2d: {  	s3 =	simm.s32 $0x108;
	s8 =	sld [smem:$0x3FB0]  }
0x2e: {  	s3 =	simm.s32 @!p0 $0x1082;
	s9 =	sld [smem:$0x3FB1]  }
0x2f: {  	lr =	sadd.s32 s0, s3;
	s0 =	sld [smem:$0x3FA8]  }
0x30: {  	s3 =	sld [smem:$0x3FAB]  }
0x31: {  	[smem:$0x3FB4] =	sst s10  }
0x32: {  	s10 =	sld [smem:$0x3FB2];
	_ =	sdelay $0x3  }
0x33: {  	p0 =	seq.s32 s10, $0x1;
	s10 =	sld [smem:$0x3FB4];
	_ =	sdelay $0x3  }
0x34: {  	[smem:$0x3FB4] =	sst s10  }
0x35: {  	s10 =	sld [smem:$0x3FB3];
	_ =	sdelay $0x3  }
0x36: {  	p1 =	seq.s32 s10, $0x1;
	s10 =	sld [smem:$0x3FB4];
	_ =	sdelay $0x3  }
0x37: {  	[smem:$0x3FB4] =	sst s10  }
0x38: {  	s10 =	sld [smem:$0x3FB5]  }
0x39: {  	_ = 	snop;
	(pc) =	sbr.ind lr, $3  }
0x3a: {  	_ = 	snop  }
0x3b: {  	_ = 	snop  }
0x3c: {  	p2 =	seq.s32 s10, $0x1;
	s10 =	sld [smem:$0x3FB4]  }
0x3d: {  	_ =	shalt  }
0x3e: {  	_ =	shalt  }
0x3f: {  	_ =	shalt  }
0x40: {  	_ =	shalt  }
0x41: {  	_ =	shalt  }
0x42: {  	_ =	shalt  }
0x43: {  	_ =	shalt  }
0x44: {  	_ =	shalt  }
0x45: {  	_ =	shalt  }
0x46: {  	_ =	shalt  }
0x47: {  	_ =	shalt  }
0x48: {  	_ =	shalt  }
0x49: {  	_ =	shalt  }
0x4a: {  	_ =	shalt  }
0x4b: {  	_ =	shalt  }
0x4c: {  	_ =	shalt  }
0x4d: {  	_ =	shalt  }
0x4e: {  	_ =	shalt  }
0x4f: {  	_ =	shalt  }
0x50: {  	_ =	shalt  }
0x51: {  	_ =	shalt  }
0x52: {  	_ =	shalt  }
0x53: {  	_ =	shalt  }
0x54: {  	_ =	shalt  }
0x55: {  	_ =	shalt  }
0x56: {  	_ =	shalt  }
0x57: {  	_ =	shalt  }
0x58: {  	_ =	shalt  }
0x59: {  	_ =	shalt  }
0x5a: {  	_ =	shalt  }
0x5b: {  	_ =	shalt  }
0x5c: {  	_ =	shalt  }
0x5d: {  	_ =	shalt  }
0x5e: {  	_ =	shalt  }
0x5f: {  	_ =	shalt  }
0x60: {  	_ =	shalt  }
0x61: {  	_ =	shalt  }
0x62: {  	_ =	shalt  }
0x63: {  	_ =	shalt  }
0x64: {  	_ =	shalt  }
0x65: {  	_ =	shalt  }
0x66: {  	_ =	shalt  }
0x67: {  	_ =	shalt  }
0x68: {  	_ =	shalt  }
0x69: {  	_ =	shalt  }
0x6a: {  	_ =	shalt  }
0x6b: {  	_ =	shalt  }
0x6c: {  	_ =	shalt  }
0x6d: {  	_ =	shalt  }
0x6e: {  	_ =	shalt  }
0x6f: {  	_ =	shalt  }
0x70: {  	_ =	shalt  }
0x71: {  	_ =	shalt  }
0x72: {  	_ =	shalt  }
0x73: {  	_ =	shalt  }
0x74: {  	_ =	shalt  }
0x75: {  	_ =	shalt  }
0x76: {  	_ =	shalt  }
0x77: {  	_ =	shalt  }
0x78: {  	_ =	shalt  }
0x79: {  	_ =	shalt  }
0x7a: {  	_ =	shalt  }
0x7b: {  	_ =	shalt  }
0x7c: {  	_ =	shalt  }
0x7d: {  	_ =	shalt  }
0x7e: {  	_ =	shalt  }
0x7f: {  	_ =	shalt  }
0x80: {  	_ =	shalt  }
0x81: {  	_ =	shalt  }
0x82: {  	_ =	shalt  }
0x83: {  	_ =	shalt  }
0x84: {  	_ =	shalt  }
0x85: {  	_ =	shalt  }
0x86: {  	_ =	shalt  }
0x87: {  	_ =	shalt  }
.Lfunc_end0:
.L_simem_size_0:
called_computation_lowered:
.L_overlay_start_0:
0x88: {  	s2 =	sld [smem:$0x3FD9]  }
0x89: {  	s3 =	sld [smem:$0x3FFE];
	_ =	sdelay $0x1  }
0x8a: {  	s1 =	srdreg.scid  }
0x8b: {  	s0 =	sand.u32 $0x1, s1  }
0x8c: {  	s16 =	sshll.u32 s0, $0xA;
	s2 =	sadd.s32 s3, s2  }
0x8d: {  	s2 =	sadd.s32 s2, s16  }
0x8e: {  	[smem:$0x3FC0] =	sst s2  }
0x8f: {  	_ = 	snop  }
0x90: {  	(tm) =	ssettm $0x1  }
0x91: {  	s17 =	sld [smem:$0x3FFB];
	_ =	sdelay $0x3  }
0x92: {  	_ =	strace s17  }
0x93: {  	s2 =	sld [smem:$0x3FFC];
	_ =	sdelay $0x3  }
0x94: {  	_ =	strace s2  }
0x95: {  	s2 =	sld [smem:$0x3FFD];
	_ =	sdelay $0x3  }
0x96: {  	_ =	strace s2  }
0x97: {  	_ =	strace $0x8FFFFFFF  }
0x98: {  	s18 =	sld [smem:$0x3FDB];
	_ =	sdelay $0x1  }
0x99: {  	s19 =	simm.s32 $_scs_section_size  }
0x9a: {  	s4 =	simm.s32 $_size__tile_overlayer_lowered;
	s5 =	simm.s32 $_tile_overlayer_lowered  }
0x9b: {  	s22 =	simm.s32 $0x1BFF;
	s21 =	sshll.u32 s5, $0x1;
	s2 =	sadd.s32 s19, s18  }
0x9c: {  	s6 =	simm.s32 $0x0;
	s20 =	sshll.u32 s4, $0x1;
	s4 =	sadd.s32 s21, s2  }
0x9d: {  	[timem:s6], [sflag:s22] =	dma.local [hbm:s4], s20  }
0x9e: {  	_ =	swait.ge [sflag:s22], s20  }
0x9f: {  	s3 =	ssub.s32 $0x0, s20;
	[sflag:s22] =	ssyncset.done $0x0  }
0xa0: {  	[sflag:s22] =	ssyncadd.s32 s3;
	_ =	sdelay $0x1  }
0xa1: {  	s23 =	simm.s32 $0x1B8B  }
0xa2: {  	_ =	swait.ge [sflag:s23], $0x1  }
0xa3: {  	[sflag:s23] =	ssyncset.done $0x0  }
0xa4: {  	s25 =	simm.s32 $0x1B8E;
	s24 =	sld [smem:$0x3FFE];
	[sflag:s23] =	ssyncadd.s32 $0xFFFFFFFF  }
0xa5: {  	s26 =	simm.s32 $execute0_lowered;
	[smem:$0x3FD2] =	sst s25  }
0xa6: {  	s4 =	sshll.u32 s26, $0x1;
	_ =	strace $0x80000046;
	[dreg:$0x1] =	wrdreg $0xFFFFFFFF  }
0xa7: {  	s28 =	simm.s32 $_size_execute0_lowered;
	s2 =	sadd.s32 s2, s4;
	[dreg:$0x0] =	wrdreg $0x0  }
0xa8: {  	s4 =	sshll.u32 s28, $0x1;
	[dreg:$0x2] =	wrdreg s2  }
0xa9: {  	[dreg:$0x3] =	wrdreg s4  }
0xaa: {  	[dreg:$0x4] =	wrdreg $0xC0  }
0xab: {  	_ =	task [dreg:s6], $0x5FFFF  }
0xac: {  	[dreg:$0x1] =	wrdreg $0xFFFFFFFF  }
0xad: {  	[dreg:$0x0] =	wrdreg $0x60  }
0xae: {  	[dreg:$0x2] =	wrdreg s24  }
0xaf: {  	[dreg:$0x3] =	wrdreg $0x9  }
0xb0: {  	_ =	task.clear_ibuf [dreg:s6], $0x4FFFF;
	_ =	strace $0x90000046  }
0xb1: {  	s29 =	simm.s32 $0x9;
	_ =	strace $0x80000048  }
0xb2: {  	_ =	swait.ge [sflag:s29], $0x1  }
0xb3: {  	[sflag:s29] =	ssyncadd.s32 $0xFFFFFFFF  }
0xb4: {  	_ =	strace $0x90000048  }
0xb5: {  	_ =	sfence  }
0xb6: {  	s30 =	sld [smem:$0x0];
	_ =	sdelay $0x2  }
0xb7: {  	s31 =	sshll.u32 s1, $0xD;
	s1 =	sshrl.u32 s1, $0x2  }
0xb8: {  	s3 =	sand.u32 $0x4000, s31;
	s1 =	sadd.s32 s1, s30  }
0xb9: {  	s0 =	sor.u32 s3, s0;
	s1 =	sshll.u32 s1, $0x11  }
0xba: {  	s0 =	sor.u32 s1, s0  }
0xbb: {  	s0 =	sadd.s32 $0x8F2B, s0  }
0xbc: {  	[sflag:s0] =	ssyncadd.remote.s32 $0x1  }
0xbd: {  	_ =	sfence.sel $0xFFFF  }
0xbe: {  	[dreg:$0x0] =	wrdreg $0xFFFFFFFF;
	(pc) =	sbr.abs _section_cstart, $3  }
0xbf: {  	[dreg:$0x1] =	wrdreg $0xFFFFFFFF  }
0xc0: {  	_ =	task.clear_ibuf [dreg:s6], $0x2FFFF;
	_ =	strace $0x9FFFFFFF  }
0xc1: {  	(tm) =	ssettm $0x7FFFFFFF  }
tec
execute0_lowered:
.L_overlay_start_1:
0x0: {  	(tag) =	ssettag $0x1  }
0x1: {  	s1 =	srdreg.scid;
	s0 =	stileid.u32  }
0x2: {  	s28 =	sand.u32 $0x1, s1;
	s31 =	sshll.u32 s0, $0x1  }
0x3: {  	s29 =	sor.u32 s28, s31  }
0x4: {  	s26 =	rddreg [dreg:$0x0];
	s3 =	smul.u32 $0xA0, s29  }
0x5: {  	s2 =	simm.s32 $0x0;
	s1 =	rddreg [dreg:$0x1]  }
0x6: {  	[smem:$0x7FF] =	sst s2;
	s3 =	sadd.s32 s3, s26  }
0x7: {  	_ =	strace $0x80000047;
	s4 =	sadd.s32 $0x19A00, s3;
	s3 =	simm.s32 $0x2  }
0x8: {  	[tilespmem:s2], [sflag:$0x2] =	stream.linear.gather [hbm4b:s4+s2], $0x500, $0x38;
	[tilespmem:$0x5500] =	vst v63  }
0x9: {  	_ =	swait.ge [sflag:s3], $0x500  }
0xa: {  	s6 =	simm.s32 $0x80;
	[sflag:s3] =	ssyncset.done $0x0  }
0xb: {  	s7 =	simm.s32 $0x500;
	s5 =	sadd.s32 $0x1200, s26;
	[sflag:s3] =	ssyncadd.s32 $0xFFFFFB00  }
0xc: {  	[tilespmem:s7], [sflag:$0x1] =	stream.indirect.gather [hbm4b:s5+s6], $0x10, s2, s6, $0xb8;
	[tilespmem:$0x5500] =	vst v63  }
0xd: {  	s8 =	simm.s32 $0xD00  }
0xe: {  	[tilespmem:s8], [sflag:$0x1] =	stream.indirect.gather [hbm4b:s5+s6], $0x10, s6, s6, $0xb8;
	[tilespmem:$0x5500] =	vst v63  }
0xf: {  	s9 =	simm.s32 $0x100;
	s10 =	simm.s32 $0x1500  }
0x10: {  	[tilespmem:s10], [sflag:$0x1] =	stream.indirect.gather [hbm4b:s5+s6], $0x10, s9, s6, $0xb8;
	[tilespmem:$0x5500] =	vst v63  }
0x11: {  	s11 =	simm.s32 $0x180;
	s12 =	simm.s32 $0x1D00  }
0x12: {  	[tilespmem:s12], [sflag:$0x1] =	stream.indirect.gather [hbm4b:s5+s6], $0x10, s11, s6, $0xb8;
	[tilespmem:$0x5500] =	vst v63  }
0x13: {  	s13 =	simm.s32 $0x200;
	s14 =	simm.s32 $0x2500  }
0x14: {  	[tilespmem:s14], [sflag:$0x1] =	stream.indirect.gather [hbm4b:s5+s6], $0x10, s13, s6, $0xb8;
	[tilespmem:$0x5500] =	vst v63  }
0x15: {  	s15 =	simm.s32 $0x280;
	s16 =	simm.s32 $0x2D00  }
0x16: {  	[tilespmem:s16], [sflag:$0x1] =	stream.indirect.gather [hbm4b:s5+s6], $0x10, s15, s6, $0xb8;
	[tilespmem:$0x5500] =	vst v63  }
0x17: {  	s17 =	simm.s32 $0x300;
	s18 =	simm.s32 $0x3500  }
0x18: {  	[tilespmem:s18], [sflag:$0x1] =	stream.indirect.gather [hbm4b:s5+s6], $0x10, s17, s6, $0xb8;
	[tilespmem:$0x5500] =	vst v63  }
0x19: {  	s19 =	simm.s32 $0x380;
	s20 =	simm.s32 $0x3D00  }
0x1a: {  	[tilespmem:s20], [sflag:$0x1] =	stream.indirect.gather [hbm4b:s5+s6], $0x10, s19, s6, $0xb8;
	[tilespmem:$0x5500] =	vst v63  }
0x1b: {  	s21 =	simm.s32 $0x400;
	s22 =	simm.s32 $0x4500  }
0x1c: {  	[tilespmem:s22], [sflag:$0x1] =	stream.indirect.gather [hbm4b:s5+s6], $0x10, s21, s6, $0xb8;
	[tilespmem:$0x5500] =	vst v63  }
0x1d: {  	s23 =	simm.s32 $0x480;
	s24 =	simm.s32 $0x4D00;
	s25 =	simm.s32 $0x1  }
0x1e: {  	[tilespmem:s24], [sflag:$0x1] =	stream.indirect.gather [hbm4b:s5+s6], $0x10, s23, s6, $0xb8;
	[tilespmem:$0x5500] =	vst v63  }
0x1f: {  	_ =	swait.ge [sflag:s25], $0x800  }
0x20: {  	[sflag:s25] =	ssyncset.done $0x0  }
0x21: {  	[sflag:s25] =	ssyncadd.s32 $0xFFFFF800  }
0x22: {  	_ =	swait.ge [sflag:s25], $0x800  }
0x23: {  	[sflag:s25] =	ssyncset.done $0x0  }
0x24: {  	[sflag:s25] =	ssyncadd.s32 $0xFFFFF800  }
0x25: {  	_ =	swait.ge [sflag:s25], $0x800  }
0x26: {  	[sflag:s25] =	ssyncset.done $0x0  }
0x27: {  	[sflag:s25] =	ssyncadd.s32 $0xFFFFF800  }
0x28: {  	_ =	swait.ge [sflag:s25], $0x800  }
0x29: {  	[sflag:s25] =	ssyncset.done $0x0  }
0x2a: {  	[sflag:s25] =	ssyncadd.s32 $0xFFFFF800  }
0x2b: {  	_ =	swait.ge [sflag:s25], $0x800  }
0x2c: {  	[sflag:s25] =	ssyncset.done $0x0  }
0x2d: {  	[sflag:s25] =	ssyncadd.s32 $0xFFFFF800  }
0x2e: {  	_ =	swait.ge [sflag:s25], $0x800  }
0x2f: {  	[sflag:s25] =	ssyncset.done $0x0  }
0x30: {  	[sflag:s25] =	ssyncadd.s32 $0xFFFFF800  }
0x31: {  	_ =	swait.ge [sflag:s25], $0x800  }
0x32: {  	[sflag:s25] =	ssyncset.done $0x0  }
0x33: {  	[sflag:s25] =	ssyncadd.s32 $0xFFFFF800  }
0x34: {  	_ =	swait.ge [sflag:s25], $0x800  }
0x35: {  	[sflag:s25] =	ssyncset.done $0x0  }
0x36: {  	s28 =	ssub.s32 $0x2, s28;
	[sflag:s25] =	ssyncadd.s32 $0xFFFFF800  }
0x37: {  	s30 =	sshrl.u32 s28, $0x1;
	_ =	swait.ge [sflag:s25], $0x800  }
0x38: {  	s28 =	ssub.s32 s28, s30;
	[sflag:s25] =	ssyncset.done $0x0  }
0x39: {  	s29 =	smul.u32 $0xA00, s29;
	s28 =	smax.u32 s28, $0x1;
	[sflag:s25] =	ssyncadd.s32 $0xFFFFF800  }
0x3a: {  	p0 =	sne.s32 s28, $0x1;
	_ =	swait.ge [sflag:s25], $0x800  }
.Ltmp0:
0x3b: {  	s26 =	sadd.s32 s29, s26;
	[sflag:s25] =	ssyncset.done $0x0;
	(pc) =	sbr.rel @!p0 .LBB2_2-.Ltmp0, $4  }
0x3c: {  	s26 =	sadd.s32 $0x1AE00, s26;
	[sflag:s25] =	ssyncadd.s32 $0xFFFFF800  }
0x3d: {  	[hbm4b:s26+s2] =	stream.linear.scatter [tilespmem:s7], [sflag:$0x2], $0x5000, $0x38;
	[tilespmem:$0x5500] =	vst v63  }
0x3e: {  	_ =	swait.ge [sflag:s3], $0x5000  }
0x3f: {  	s28 =	sadd.s32 $0xFFFFFFFF, s28;
	[sflag:s3] =	ssyncset.done $0x0  }
.LBB2_1:
0x40: {  	p0 =	sne.s32 s28, $0x1;
	s28 =	sadd.s32 $0xFFFFFFFF, s28;
	[sflag:s3] =	ssyncadd.s32 $0xFFFFB000  }
0x41: {  	[tilespmem:s2], [sflag:$0x2] =	stream.linear.gather [hbm4b:s4+s2], $0x500, $0x38;
	[tilespmem:$0x5500] =	vst v63  }
0x42: {  	_ =	swait.ge [sflag:s3], $0x500  }
0x43: {  	[sflag:s3] =	ssyncset.done $0x0  }
0x44: {  	[sflag:s3] =	ssyncadd.s32 $0xFFFFFB00  }
0x45: {  	[tilespmem:s7], [sflag:$0x1] =	stream.indirect.gather [hbm4b:s5+s6], $0x10, s2, s6, $0xb8;
	[tilespmem:$0x5500] =	vst v63  }
0x46: {  	_ = 	snop  }
0x47: {  	[tilespmem:s8], [sflag:$0x1] =	stream.indirect.gather [hbm4b:s5+s6], $0x10, s6, s6, $0xb8;
	[tilespmem:$0x5500] =	vst v63  }
0x48: {  	_ = 	snop  }
0x49: {  	[tilespmem:s10], [sflag:$0x1] =	stream.indirect.gather [hbm4b:s5+s6], $0x10, s9, s6, $0xb8;
	[tilespmem:$0x5500] =	vst v63  }
0x4a: {  	_ = 	snop  }
0x4b: {  	[tilespmem:s12], [sflag:$0x1] =	stream.indirect.gather [hbm4b:s5+s6], $0x10, s11, s6, $0xb8;
	[tilespmem:$0x5500] =	vst v63  }
0x4c: {  	_ = 	snop  }
0x4d: {  	[tilespmem:s14], [sflag:$0x1] =	stream.indirect.gather [hbm4b:s5+s6], $0x10, s13, s6, $0xb8;
	[tilespmem:$0x5500] =	vst v63  }
0x4e: {  	_ = 	snop  }
0x4f: {  	[tilespmem:s16], [sflag:$0x1] =	stream.indirect.gather [hbm4b:s5+s6], $0x10, s15, s6, $0xb8;
	[tilespmem:$0x5500] =	vst v63  }
0x50: {  	_ = 	snop  }
0x51: {  	[tilespmem:s18], [sflag:$0x1] =	stream.indirect.gather [hbm4b:s5+s6], $0x10, s17, s6, $0xb8;
	[tilespmem:$0x5500] =	vst v63  }
0x52: {  	_ = 	snop  }
0x53: {  	[tilespmem:s20], [sflag:$0x1] =	stream.indirect.gather [hbm4b:s5+s6], $0x10, s19, s6, $0xb8;
	[tilespmem:$0x5500] =	vst v63  }
0x54: {  	_ = 	snop  }
0x55: {  	[tilespmem:s22], [sflag:$0x1] =	stream.indirect.gather [hbm4b:s5+s6], $0x10, s21, s6, $0xb8;
	[tilespmem:$0x5500] =	vst v63  }
0x56: {  	_ = 	snop  }
0x57: {  	[tilespmem:s24], [sflag:$0x1] =	stream.indirect.gather [hbm4b:s5+s6], $0x10, s23, s6, $0xb8;
	[tilespmem:$0x5500] =	vst v63  }
0x58: {  	_ =	swait.ge [sflag:s25], $0x800  }
0x59: {  	[sflag:s25] =	ssyncset.done $0x0  }
0x5a: {  	[sflag:s25] =	ssyncadd.s32 $0xFFFFF800  }
0x5b: {  	_ =	swait.ge [sflag:s25], $0x800  }
0x5c: {  	[sflag:s25] =	ssyncset.done $0x0  }
0x5d: {  	[sflag:s25] =	ssyncadd.s32 $0xFFFFF800  }
0x5e: {  	_ =	swait.ge [sflag:s25], $0x800  }
0x5f: {  	[sflag:s25] =	ssyncset.done $0x0  }
0x60: {  	[sflag:s25] =	ssyncadd.s32 $0xFFFFF800  }
0x61: {  	_ =	swait.ge [sflag:s25], $0x800  }
0x62: {  	[sflag:s25] =	ssyncset.done $0x0  }
0x63: {  	[sflag:s25] =	ssyncadd.s32 $0xFFFFF800  }
0x64: {  	_ =	swait.ge [sflag:s25], $0x800  }
0x65: {  	[sflag:s25] =	ssyncset.done $0x0  }
0x66: {  	[sflag:s25] =	ssyncadd.s32 $0xFFFFF800  }
0x67: {  	_ =	swait.ge [sflag:s25], $0x800  }
0x68: {  	[sflag:s25] =	ssyncset.done $0x0  }
0x69: {  	[sflag:s25] =	ssyncadd.s32 $0xFFFFF800  }
0x6a: {  	_ =	swait.ge [sflag:s25], $0x800  }
0x6b: {  	[sflag:s25] =	ssyncset.done $0x0  }
0x6c: {  	[sflag:s25] =	ssyncadd.s32 $0xFFFFF800  }
0x6d: {  	_ =	swait.ge [sflag:s25], $0x800  }
0x6e: {  	[sflag:s25] =	ssyncset.done $0x0  }
0x6f: {  	[sflag:s25] =	ssyncadd.s32 $0xFFFFF800  }
0x70: {  	_ =	swait.ge [sflag:s25], $0x800  }
0x71: {  	[sflag:s25] =	ssyncset.done $0x0  }
0x72: {  	[sflag:s25] =	ssyncadd.s32 $0xFFFFF800  }
0x73: {  	_ =	swait.ge [sflag:s25], $0x800  }
.Ltmp1:
0x74: {  	[sflag:s25] =	ssyncset.done $0x0;
	(pc) =	sbr.rel @p0 .LBB2_1-.Ltmp1, $4  }
0x75: {  	[sflag:s25] =	ssyncadd.s32 $0xFFFFF800  }
0x76: {  	[hbm4b:s26+s2] =	stream.linear.scatter [tilespmem:s7], [sflag:$0x2], $0x5000, $0x38;
	[tilespmem:$0x5500] =	vst v63  }
0x77: {  	_ =	swait.ge [sflag:s3], $0x5000  }
0x78: {  	[sflag:s3] =	ssyncset.done $0x0  }
.LBB2_2:
0x79: {  	[sflag:s3] =	ssyncadd.s32 $0xFFFFB000  }
0x7a: {  	_ =	sfence.sel $0x180000  }
0x7b: {  	[bflag:$0x0] =	sbarrier.arrive $0xFFFF  }
0x7c: {  	p0 =	sne.s32 s0, $0x0;
	_ =	strace $0x90000047  }
0x7d: {  	s0 =	sadd.s32 @!p0 $0x100000, s1;
	[bflag:$0x2] =	sbarrier.arrive $0xFFFF  }
0x7e: {  	[sflag:s0] =	ssyncadd.tile.s32 @!p0 $0x1;
	_ =	shalt  }
.Lfunc_end2:
_tile_overlayer_lowered:
.L_overlay_start_2:
0x7f: {  	(tag) =	ssettag $0x2  }
0x80: {  	s0 =	rddreg [dreg:$0x0];
	s2 =	stileid.u32  }
0x81: {  	s1 =	rddreg [dreg:$0x1];
	p0 =	sne.s32 s2, $0x0  }
0x82: {  	s3 =	rddreg [dreg:$0x2];
	[bflag:$0x3] =	sbarrier.arrive $0xFFFF;
	s2 =	simm.s32 @!p0 $0x1C02  }
0x83: {  	[timem:s3], [sflag:s2] =	dma.local @!p0 [hbm:s0], s1  }
0x84: {  	s0 =	simm.s32 @!p0 $0x2  }
0x85: {  	_ =	swait.ge @!p0 [sflag:s0], s1  }
0x86: {  	s1 =	ssub.s32 @!p0 $0x0, s1;
	[sflag:s0] =	ssyncset.done @!p0 $0x0  }
0x87: {  	[sflag:s0] =	ssyncadd.s32 @!p0 s1  }
0x88: {  	[bflag:$0x3] =	sbarrier.arrive $0xFFFF  }
0x89: {  	_ =	shalt  }

</sc_bundles>
